<compile_context>
chip_gen: v7x
topology: tpu7x:2x2x1
jax: 0.10.2.dev20260603
libtpu: 0.0.44.dev20260713+nightly
codegen_flags: <defaults>
</compile_context>

<pallas_src>
import functools

import jax
import jax.numpy as jnp
from jax import lax
from jax.experimental import pallas as pl
from jax.experimental.pallas import tpu as pltpu
from jax.experimental.pallas import tpu_sc as plsc

B, S, D = 16, 512, 512
N = 16384
H = 64
K = 64
SPW = 0.125
HID = 100
TSE_W = 2 * HID
TROLE_W = 4 * HID
HALF = N // 2
CHUNK = 2048
G = 8
CAND = 80


def _k1_body(seq_ref, wp_ref, bp_ref, wse_ref, bse_ref, wro_ref, bro_ref,
             tse_ref, tro_ref, h_ref):
    x = jnp.dot(seq_ref[0], wp_ref[...], preferred_element_type=jnp.float32)
    h = jnp.tanh(x + bp_ref[...])
    h_ref[0] = h
    tse_ref[0] = jnp.dot(h, wse_ref[...], preferred_element_type=jnp.float32) + bse_ref[...]
    tro_ref[0] = jnp.dot(h, wro_ref[...], preferred_element_type=jnp.float32) + bro_ref[...]


def _k1(seq, wp, bp, wse, bse, wro, bro):
    return pl.pallas_call(
        _k1_body,
        grid=(B,),
        in_specs=[
            pl.BlockSpec((1, S, D), lambda b: (b, 0, 0)),
            pl.BlockSpec((D, H), lambda b: (0, 0)),
            pl.BlockSpec((1, H), lambda b: (0, 0)),
            pl.BlockSpec((H, TSE_W), lambda b: (0, 0)),
            pl.BlockSpec((1, TSE_W), lambda b: (0, 0)),
            pl.BlockSpec((H, TROLE_W), lambda b: (0, 0)),
            pl.BlockSpec((1, TROLE_W), lambda b: (0, 0)),
        ],
        out_specs=[
            pl.BlockSpec((1, S, TSE_W), lambda b: (b, 0, 0)),
            pl.BlockSpec((1, S, TROLE_W), lambda b: (b, 0, 0)),
            pl.BlockSpec((1, S, H), lambda b: (b, 0, 0)),
        ],
        out_shape=[
            jax.ShapeDtypeStruct((B, S, TSE_W), jnp.float32),
            jax.ShapeDtypeStruct((B, S, TROLE_W), jnp.float32),
            jax.ShapeDtypeStruct((B, S, H), jnp.float32),
        ],
    )(seq, wp, bp, wse, bse, wro, bro)


@functools.cache
def _build_k2():
  mesh = plsc.VectorSubcoreMesh(core_axis_name="c", subcore_axis_name="s")
  deco = functools.partial(
    pl.kernel,
    out_type=[
        jax.ShapeDtypeStruct((B, N * 4), jnp.float32),
        jax.ShapeDtypeStruct((B, 2, 16), jnp.float32),
    ],
    mesh=mesh,
    scratch_types=[
        pltpu.VMEM((S * TSE_W,), jnp.float32),
        pltpu.VMEM((CHUNK,), jnp.int32),
        pltpu.VMEM((CHUNK * 4,), jnp.float32),
        pltpu.VMEM((416,), jnp.float32),
        pltpu.VMEM((16,), jnp.float32),
    ],
    compiler_params=pltpu.CompilerParams(needs_layout_passes=False),
  )

  @deco
  def k2(tse_hbm, pk_hbm, w2_hbm,
        sc4_hbm, sq_hbm,
        tab_v, pk_v, o4_v, w2_v, sq_v):
    wid = lax.axis_index("s") * 2 + lax.axis_index("c")
    b = wid // 2
    half = wid % 2

    pltpu.sync_copy(tse_hbm.at[b], tab_v)
    pltpu.sync_copy(w2_hbm, w2_v)

    zi = jnp.zeros((16,), jnp.int32)
    b2s = [plsc.load_gather(w2_v, [zi + (384 + l)]) for l in range(3)]

    il4 = lax.iota(jnp.int32, 16) * 4

    def chunk_step(ci, seqmax):
        base = half * HALF + ci * CHUNK
        pltpu.sync_copy(pk_hbm.at[b, pl.ds(base, CHUNK)], pk_v)

        def gblock_step(gb, seqmax):
            g0 = gb * (G * 16)
            pks = [pk_v[pl.ds(g0 + g * 16, 16)] for g in range(G)]
            svs = [lax.shift_right_logical(p_, 10) for p_ in pks]
            evs = [lax.shift_right_logical(p_, 1) & 511 for p_ in pks]
            mbs = [(p_ & 1).astype(jnp.float32) for p_ in pks]
            fs0 = tuple(sv * TSE_W for sv in svs)
            fe0 = tuple(ev * TSE_W + HID for ev in evs)
            za = tuple(jnp.zeros((16,), jnp.float32) for _ in range(3 * G))

            def h_step(h, carry):
                accs = list(carry[0])
                fss = list(carry[1])
                fes = list(carry[2])
                w2s = [plsc.load_gather(w2_v, [zi + (l * 128) + h])
                       for l in range(3)]
                for g in range(G):
                    ts = plsc.load_gather(tab_v, [fss[g]])
                    te = plsc.load_gather(tab_v, [fes[g]])
                    gv = jnp.maximum(ts + te, 0.0)
                    accs[3 * g + 0] = accs[3 * g + 0] + gv * w2s[0]
                    accs[3 * g + 1] = accs[3 * g + 1] + gv * w2s[1]
                    accs[3 * g + 2] = accs[3 * g + 2] + gv * w2s[2]
                    fss[g] = fss[g] + 1
                    fes[g] = fes[g] + 1
                return (tuple(accs), tuple(fss), tuple(fes))

            accs, _, _ = lax.fori_loop(0, HID, h_step, (za, fs0, fe0))
            for g in range(G):
                off = g0 + g * 16
                a0 = accs[3 * g + 0] + b2s[0]
                a1 = accs[3 * g + 1] + b2s[1]
                a2 = accs[3 * g + 2] + b2s[2]
                mkv = mbs[g]
                prune = jnp.where(mkv > 0.0, jnp.maximum(a1, a2), -1e30)
                i0 = il4 + (off * 4)
                plsc.store_scatter(o4_v, [i0], a0)
                plsc.store_scatter(o4_v, [i0 + 1], a1)
                plsc.store_scatter(o4_v, [i0 + 2], a2)
                plsc.store_scatter(o4_v, [i0 + 3], prune)
                ef = evs[g].astype(jnp.float32)
                seqmax = jnp.maximum(seqmax, mkv * ef)
            return seqmax

        seqmax = lax.fori_loop(0, CHUNK // (G * 16), gblock_step, seqmax)
        pltpu.sync_copy(o4_v, sc4_hbm.at[b, pl.ds(base * 4, CHUNK * 4)])
        return seqmax

    seqmax = lax.fori_loop(0, HALF // CHUNK, chunk_step,
                           jnp.zeros((16,), jnp.float32))
    sq_v[...] = seqmax
    pltpu.sync_copy(sq_v, sq_hbm.at[b, half])

  return k2


def _k3_body(prm_ref, pk_ref, cp_ref, ci_ref):
    x = prm_ref[...]
    pk = pk_ref[...]
    fio = (lax.broadcasted_iota(jnp.int32, (B, 128, 128), 1) * 128
           + lax.broadcasted_iota(jnp.int32, (B, 128, 128), 2))
    ic = lax.broadcasted_iota(jnp.int32, (B, CAND), 1)
    bigi = jnp.int32(2147483647)

    def step(k, carry):
        x, cp, ci = carry
        m = jnp.max(jnp.max(x, axis=2, keepdims=True), axis=1, keepdims=True)
        flat = jnp.min(jnp.min(jnp.where(x == m, fio, bigi), axis=2,
                               keepdims=True), axis=1, keepdims=True)
        hit = fio == flat
        pv = jnp.max(jnp.max(jnp.where(hit, pk, 0), axis=2, keepdims=True),
                     axis=1, keepdims=True)
        sel = ic == k
        cp = jnp.where(sel, jnp.broadcast_to(pv[:, :, 0], (B, CAND)), cp)
        ci = jnp.where(sel, jnp.broadcast_to(flat[:, :, 0], (B, CAND)), ci)
        x = jnp.where(hit, -3e38, x)
        return x, cp, ci

    zi = jnp.zeros((B, CAND), jnp.int32)
    x, cp, ci = lax.fori_loop(0, CAND, step, (x, zi, zi))
    cp_ref[...] = cp
    ci_ref[...] = ci


def _k3(prm, pk):
    return pl.pallas_call(
        _k3_body,
        in_specs=[
            pl.BlockSpec((B, 128, 128), lambda: (0, 0, 0)),
            pl.BlockSpec((B, 128, 128), lambda: (0, 0, 0)),
        ],
        out_specs=[
            pl.BlockSpec((B, CAND), lambda: (0, 0)),
            pl.BlockSpec((B, CAND), lambda: (0, 0)),
        ],
        out_shape=[
            jax.ShapeDtypeStruct((B, CAND), jnp.int32),
            jax.ShapeDtypeStruct((B, CAND), jnp.int32),
        ],
    )(prm, pk)


def _k4_body(cp_ref, ci_ref, h_ref, w1_ref, b1_ref, w2_ref,
             b2_ref, tro_ref, sq_ref, r2_ref, rb2_ref,
             role_ref, tops_ref, tope_ref, tsm_ref):
    cpv = cp_ref[0]
    csv = lax.shift_right_logical(cpv, 10)
    cev = lax.shift_right_logical(cpv, 1) & 511
    cmv = (cpv & 1).astype(jnp.float32)
    civ = ci_ref[0]
    i512c = lax.broadcasted_iota(jnp.int32, (CAND, S), 1)
    ohs = jnp.where(csv.reshape(CAND, 1) == i512c, 1.0, 0.0)
    ohe = jnp.where(cev.reshape(CAND, 1) == i512c, 1.0, 0.0)
    embs = jnp.dot(ohs, h_ref[0], preferred_element_type=jnp.float32,
                   precision=lax.Precision.HIGHEST)
    embe = jnp.dot(ohe, h_ref[0], preferred_element_type=jnp.float32,
                   precision=lax.Precision.HIGHEST)
    emb = jnp.concatenate([embs, embe], axis=1)
    u = jnp.dot(emb, w1_ref[...], preferred_element_type=jnp.float32) + b1_ref[...]
    g = jnp.maximum(u, 0.0)
    sc3 = jnp.dot(g, w2_ref[...], preferred_element_type=jnp.float32) + b2_ref[...]
    pr = jnp.max(sc3[:, 1:3], axis=1, keepdims=True)
    cmc = cmv.reshape(CAND, 1)
    pexc = jnp.where(cmc > 0.0, pr, -1e30)
    civc = civ.reshape(CAND, 1)
    csvc = csv.reshape(CAND, 1)
    cevc = cev.reshape(CAND, 1)

    pexr = pexc.reshape(1, CAND)
    civr = civc.reshape(1, CAND)
    better = (pexc > pexr) | ((pexc == pexr) & (civc < civr))
    rank = jnp.sum(better.astype(jnp.int32), axis=0, keepdims=True)
    rankc = rank.reshape(CAND, 1)

    i64 = lax.broadcasted_iota(jnp.int32, (1, K), 1)
    hitjk = rankc == i64
    tops = jnp.max(jnp.where(hitjk, csvc, 0), axis=0, keepdims=True)
    tope = jnp.max(jnp.where(hitjk, cevc, 0), axis=0, keepdims=True)
    topm = jnp.max(jnp.where(hitjk, cmc, 0.0), axis=0, keepdims=True)

    sl = jnp.max(sq_ref[...])
    nk = jnp.clip(jnp.ceil(SPW * sl), 1.0, float(K))
    tsm = jnp.where(i64.astype(jnp.float32) < nk, topm, 0.0)

    i512 = lax.broadcasted_iota(jnp.int32, (K, S), 1)
    ohs2 = jnp.where(tops.reshape(K, 1) == i512, 1.0, 0.0)
    ohe2 = jnp.where(tope.reshape(K, 1) == i512, 1.0, 0.0)
    gs = jnp.dot(ohs2, tro_ref[0], preferred_element_type=jnp.float32)
    ge = jnp.dot(ohe2, tro_ref[0], preferred_element_type=jnp.float32)
    p = gs[:, 0:HID] + ge[:, HID:2 * HID]
    q = gs[:, 2 * HID:3 * HID] + ge[:, 3 * HID:4 * HID]
    hid = jnp.maximum(
        jnp.broadcast_to(p.reshape(K, 1, HID), (K, K, HID))
        + jnp.broadcast_to(q.reshape(1, K, HID), (K, K, HID)), 0.0
    ).reshape(K * K, HID)
    role_ref[0] = jnp.dot(hid, r2_ref[...], preferred_element_type=jnp.float32) + rb2_ref[...]
    tops_ref[0] = tops
    tope_ref[0] = tope
    tsm_ref[0] = tsm


def _k4(cp, ci, h, w1, b1, w2, b2, tro, sq, r2, rb2):
    return pl.pallas_call(
        _k4_body,
        grid=(B,),
        in_specs=[
            pl.BlockSpec((1, 1, CAND), lambda b: (b, 0, 0)),
            pl.BlockSpec((1, 1, CAND), lambda b: (b, 0, 0)),
            pl.BlockSpec((1, S, H), lambda b: (b, 0, 0)),
            pl.BlockSpec((2 * H, HID), lambda b: (0, 0)),
            pl.BlockSpec((1, HID), lambda b: (0, 0)),
            pl.BlockSpec((HID, 3), lambda b: (0, 0)),
            pl.BlockSpec((1, 3), lambda b: (0, 0)),
            pl.BlockSpec((1, S, TROLE_W), lambda b: (b, 0, 0)),
            pl.BlockSpec((1, 1, 32), lambda b: (b, 0, 0)),
            pl.BlockSpec((HID, 2), lambda b: (0, 0)),
            pl.BlockSpec((1, 2), lambda b: (0, 0)),
        ],
        out_specs=[
            pl.BlockSpec((1, K * K, 2), lambda b: (b, 0, 0)),
            pl.BlockSpec((1, 1, K), lambda b: (b, 0, 0)),
            pl.BlockSpec((1, 1, K), lambda b: (b, 0, 0)),
            pl.BlockSpec((1, 1, K), lambda b: (b, 0, 0)),
        ],
        out_shape=[
            jax.ShapeDtypeStruct((B, K * K, 2), jnp.float32),
            jax.ShapeDtypeStruct((B, 1, K), jnp.int32),
            jax.ShapeDtypeStruct((B, 1, K), jnp.int32),
            jax.ShapeDtypeStruct((B, 1, K), jnp.float32),
        ],
    )(cp, ci, h, w1, b1, w2, b2, tro, sq, r2, rb2)


def kernel(seq_tensor, span_indices, span_mask, W_proj, b_proj, W1, b1, W2,
           b2, R1, rb1, R2, rb2):
    f32 = jnp.float32
    starts = span_indices[..., 0]
    ends = span_indices[..., 1]

    wse = jnp.concatenate([W1[:H], W1[H:]], axis=1)
    bse = jnp.concatenate([jnp.zeros((HID,), f32), b1])[None, :]
    wro = jnp.concatenate([R1[:H], R1[H:2 * H], R1[2 * H:3 * H], R1[3 * H:]],
                          axis=1)
    bro = jnp.concatenate([jnp.zeros((HID,), f32), rb1,
                           jnp.zeros((2 * HID,), f32)])[None, :]
    pad28 = jnp.zeros((28,), f32)
    w2cat = jnp.concatenate([W2[:, 0], pad28, W2[:, 1], pad28, W2[:, 2],
                             pad28, b2, jnp.zeros((29,), f32)])

    tse, tro, h3 = _k1(seq_tensor, W_proj, b_proj[None, :], wse, bse, wro, bro)

    pkflat = (starts * 1024 + ends * 2 + (span_mask > 0).astype(jnp.int32))
    sc4, seqpart = _build_k2()(
        tse.reshape(B, S * TSE_W), pkflat, w2cat)
    sc4 = sc4.reshape(B, N, 4)
    prm = sc4[..., 3]

    cp, ci = _k3(prm.reshape(B, 128, 128), pkflat.reshape(B, 128, 128))
    cp = cp.reshape(B, 1, CAND)
    ci = ci.reshape(B, 1, CAND)

    role, tops, tope, tsm = _k4(
        cp, ci, h3, W1, b1[None, :], W2, b2[None, :], tro,
        seqpart.reshape(B, 1, 32), R2, rb2[None, :])

    span_scores = sc4[..., 0:3]
    role_scores = role.reshape(B, K, K, 2)
    top_indices = jnp.stack([tops.reshape(B, K), tope.reshape(B, K)], axis=-1)
    return span_scores, role_scores, tsm.reshape(B, K), top_indices

# --- scband reference (transcript-rebuilt; emitter-appended) ---
"""Pipeline reference for scband-relation-extractor-85392539779534 (READ-ONLY COPY).

The authoritative reference and input builder live on the scoring server;
editing this copy changes nothing except your own understanding.
"""

import jax, jax.numpy as jnp
import numpy as np

B, S, D = 16, 512, 512
N = 16384
H = 64
K = 64
SPW = 0.125
L_ENT = 3
L_ROLE = 2
HID = 100


def setup_inputs(seed: int = 0) -> dict:
    key = jax.random.key(seed)
    ks = jax.random.split(key, 8)
    seq_tensor = jax.random.normal(ks[0], (B, S, D), dtype=jnp.float32)
    span_indices = jax.random.randint(ks[1], (B, N, 2), 0, S, dtype=jnp.int32)
    span_mask = jnp.ones((B, N), dtype=jnp.float32)
    sc = 0.05
    W_proj = jax.random.normal(ks[2], (D, H), dtype=jnp.float32) * sc
    b_proj = jnp.zeros((H,), dtype=jnp.float32)
    W1 = jax.random.normal(ks[3], (2 * H, HID), dtype=jnp.float32) * sc
    b1 = jnp.zeros((HID,), dtype=jnp.float32)
    W2 = jax.random.normal(ks[4], (HID, L_ENT), dtype=jnp.float32) * sc
    b2 = jnp.zeros((L_ENT,), dtype=jnp.float32)
    R1 = jax.random.normal(ks[5], (4 * H, HID), dtype=jnp.float32) * sc
    rb1 = jnp.zeros((HID,), dtype=jnp.float32)
    R2 = jax.random.normal(ks[6], (HID, L_ROLE), dtype=jnp.float32) * sc
    rb2 = jnp.zeros((L_ROLE,), dtype=jnp.float32)
    return {"seq_tensor": seq_tensor, "span_indices": span_indices, "span_mask": span_mask,
            "W_proj": W_proj, "b_proj": b_proj, "W1": W1, "b1": b1, "W2": W2, "b2": b2,
            "R1": R1, "rb1": rb1, "R2": R2, "rb2": rb2}


def reference(seq_tensor, span_indices, span_mask, W_proj, b_proj, W1, b1, W2, b2, R1, rb1, R2, rb2):
    # SpanEmbedderMulti: project encoder states, gather span endpoint embeddings
    h = jnp.tanh(seq_tensor @ W_proj + b_proj)  # [B,S,H]
    starts = span_indices[..., 0]
    ends = span_indices[..., 1]
    start_emb = jnp.take_along_axis(h, starts[..., None], axis=1)  # [B,N,H]
    end_emb = jnp.take_along_axis(h, ends[..., None], axis=1)      # [B,N,H]
    emb = jnp.concatenate([start_emb, end_emb], axis=-1)           # [B,N,2H]
    # SpanScorerMulti: FFNN span label scores
    span_scores = jnp.maximum(emb @ W1 + b1, 0.0) @ W2 + b2        # [B,N,L_ENT]
    # get_seq_lenth
    seq_length = jnp.max(span_mask * ends.astype(jnp.float32), axis=1)  # [B]
    # SpanPrunerMulti: top-k spans by max non-null label score
    prune_score = jnp.max(span_scores[..., 1:], axis=-1)           # [B,N]
    masked_score = jnp.where(span_mask > 0, prune_score, -1e30)
    top_vals, top_idx = jax.lax.top_k(masked_score, K)             # [B,K]
    num_keep = jnp.clip(jnp.ceil(SPW * seq_length), 1, K)          # [B]
    rank = jnp.arange(K, dtype=jnp.float32)[None, :]
    keep = (rank < num_keep[:, None]).astype(jnp.float32)
    top_span_mask = keep * jnp.take_along_axis(span_mask, top_idx, axis=1)  # [B,K]
    top_emb = jnp.take_along_axis(emb, top_idx[..., None], axis=1)          # [B,K,2H]
    top_indices = jnp.take_along_axis(span_indices, top_idx[..., None], axis=1)  # [B,K,2]
    # RoleScorerMulti: pairwise span embeddings -> role scores
    e1 = jnp.broadcast_to(top_emb[:, :, None, :], (B, K, K, 2 * H))
    e2 = jnp.broadcast_to(top_emb[:, None, :, :], (B, K, K, 2 * H))
    pairs = jnp.concatenate([e1, e2], axis=-1)                     # [B,K,K,4H]
    role_scores = jnp.maximum(pairs @ R1 + rb1, 0.0) @ R2 + rb2    # [B,K,K,L_ROLE]
    return (span_scores, role_scores, top_span_mask, top_indices)

if __name__ == "__main__":
    import jax
    _d = setup_inputs()
    print(jax.jit(kernel)(*tuple(_d.values())))

</pallas_src>

<mosaic_0001>
#map = affine_map<(d0, d1) -> (0, 0)>
#map1 = affine_map<(d0, d1) -> (0)>
#map2 = affine_map<(d0, d1) -> (0, 0, 0)>
module attributes {stable_mosaic.version = 14 : i64} {
  func.func @k2(%arg0: i32, %arg1: i32, %arg2: memref<16x102400xf32, #tpu.memory_space<hbm>>, %arg3: memref<16x16384xi32, #tpu.memory_space<hbm>>, %arg4: memref<416xf32, #tpu.memory_space<hbm>>, %arg5: memref<16x65536xf32, #tpu.memory_space<hbm>>, %arg6: memref<16x2x16xf32, #tpu.memory_space<hbm>>, %arg7: memref<102400xf32, #tpu.memory_space<vmem>>, %arg8: memref<2048xi32, #tpu.memory_space<vmem>>, %arg9: memref<8192xf32, #tpu.memory_space<vmem>>, %arg10: memref<416xf32, #tpu.memory_space<vmem>>, %arg11: memref<16xf32, #tpu.memory_space<vmem>>) attributes {dimension_semantics = [#tpu.dimension_semantics<core_parallel>, #tpu.dimension_semantics<subcore_parallel>], iteration_bounds = array<i64: 2, 16>, scalar_prefetch = 0 : i64, scratch_operands = 5 : i64, tpu.core_type = #tpu.core_type<sc_vector_subcore>, window_params = [{transform_indices = #map}, {transform_indices = #map}, {transform_indices = #map1}, {transform_indices = #map}, {transform_indices = #map2}]} {
    %mul3A = arith.constant 2 : i32
    %mul3A_0 = arith.muli %arg1, %mul3A : i32
    %add3A = arith.addi %mul3A_0, %arg0 : i32
    %jit3A = arith.constant 2 : i32
    %div3A = arith.divsi %add3A, %jit3A : i32
    %sign3A = arith.constant 0 : i32
    %sign3A_1 = arith.cmpi sgt, %add3A, %sign3A : i32
    %sign3A_2 = arith.extui %sign3A_1 : i1 to i32
    %sign3A_3 = arith.constant 0 : i32
    %sign3A_4 = arith.cmpi slt, %add3A, %sign3A_3 : i32
    %sign3A_5 = arith.extui %sign3A_4 : i1 to i32
    %sign3A_6 = arith.subi %sign3A_2, %sign3A_5 : i32
    %sign3A_7 = arith.constant 0 : i32
    %sign3A_8 = arith.cmpi sgt, %jit3A, %sign3A_7 : i32
    %sign3A_9 = arith.extui %sign3A_8 : i1 to i32
    %sign3A_10 = arith.constant 0 : i32
    %sign3A_11 = arith.cmpi slt, %jit3A, %sign3A_10 : i32
    %sign3A_12 = arith.extui %sign3A_11 : i1 to i32
    %sign3A_13 = arith.subi %sign3A_9, %sign3A_12 : i32
    %ne3A = arith.cmpi ne, %sign3A_6, %sign3A_13 : i32
    %rem3A = arith.remsi %add3A, %jit3A : i32
    %ne3A_14 = arith.constant 0 : i32
    %ne3A_15 = arith.cmpi ne, %rem3A, %ne3A_14 : i32
    %and3A = arith.andi %ne3A, %ne3A_15 : i1
    %sub3A = arith.constant 1 : i32
    %sub3A_16 = arith.subi %div3A, %sub3A : i32
    %select_n3A = arith.select %and3A, %sub3A_16, %div3A : i32
    %jit3A_17 = arith.constant 2 : i32
    %eq3A = arith.constant 0 : i32
    %eq3A_18 = arith.cmpi eq, %jit3A_17, %eq3A : i32
    %jit3A_19 = arith.constant 1 : i32
    %select_n3A_20 = arith.select %eq3A_18, %jit3A_19, %jit3A_17 : i32
    %rem3A_21 = arith.remsi %add3A, %select_n3A_20 : i32
    %ne3A_22 = arith.constant 0 : i32
    %ne3A_23 = arith.cmpi ne, %rem3A_21, %ne3A_22 : i32
    %lt3A = arith.constant 0 : i32
    %lt3A_24 = arith.cmpi slt, %rem3A_21, %lt3A : i32
    %lt3A_25 = arith.constant 0 : i32
    %lt3A_26 = arith.cmpi slt, %select_n3A_20, %lt3A_25 : i32
    %ne3A_27 = arith.xori %lt3A_24, %lt3A_26 : i1
    %and3A_28 = arith.andi %ne3A_27, %ne3A_23 : i1
    %add3A_29 = arith.addi %rem3A_21, %select_n3A_20 : i32
    %select_n3A_30 = arith.select %and3A_28, %add3A_29, %rem3A_21 : i32
    "tpu.region"() ({
      %run_scoped3A = tpu.sem_alloc : memref<!tpu.dma_semaphore, #tpu.memory_space<semaphore_mem>>
      %dma_start3A = arith.constant 0 : i32
      %dma_start3A_54 = tpu.memref_slice %arg2[%select_n3A, %dma_start3A] : memref<16x102400xf32, #tpu.memory_space<hbm>> -> memref<1x102400xf32, #tpu.memory_space<hbm>>
      %dma_start3A_55 = tpu.memref_squeeze %dma_start3A_54 : memref<1x102400xf32, #tpu.memory_space<hbm>> -> memref<102400xf32, #tpu.memory_space<hbm>>
      %dma_start3A_56 = arith.constant 0 : i32
      %dma_start3A_57 = tpu.memref_slice %arg2[%select_n3A, %dma_start3A_56] : memref<16x102400xf32, #tpu.memory_space<hbm>> -> memref<1x102400xf32, #tpu.memory_space<hbm>>
      %dma_start3A_58 = tpu.memref_squeeze %dma_start3A_57 : memref<1x102400xf32, #tpu.memory_space<hbm>> -> memref<102400xf32, #tpu.memory_space<hbm>>
      tpu.enqueue_dma source(%dma_start3A_58 : memref<102400xf32, #tpu.memory_space<hbm>>) target(%arg7 : memref<102400xf32, #tpu.memory_space<vmem>>) target_semaphore(%run_scoped3A : memref<!tpu.dma_semaphore, #tpu.memory_space<semaphore_mem>>)
      %dma_wait3A = arith.constant 0 : i32
      %dma_wait3A_59 = tpu.memref_slice %arg2[%select_n3A, %dma_wait3A] : memref<16x102400xf32, #tpu.memory_space<hbm>> -> memref<1x102400xf32, #tpu.memory_space<hbm>>
      %dma_wait3A_60 = tpu.memref_squeeze %dma_wait3A_59 : memref<1x102400xf32, #tpu.memory_space<hbm>> -> memref<102400xf32, #tpu.memory_space<hbm>>
      %dma_wait3A_61 = arith.constant 0 : i32
      %dma_wait3A_62 = tpu.memref_slice %arg2[%select_n3A, %dma_wait3A_61] : memref<16x102400xf32, #tpu.memory_space<hbm>> -> memref<1x102400xf32, #tpu.memory_space<hbm>>
      %dma_wait3A_63 = tpu.memref_squeeze %dma_wait3A_62 : memref<1x102400xf32, #tpu.memory_space<hbm>> -> memref<102400xf32, #tpu.memory_space<hbm>>
      tpu.wait_dma2 semaphore(%run_scoped3A : memref<!tpu.dma_semaphore, #tpu.memory_space<semaphore_mem>>) src(%dma_wait3A_63 : memref<102400xf32, #tpu.memory_space<hbm>>) dst(%arg7 : memref<102400xf32, #tpu.memory_space<vmem>>)
      tpu.yield
    }) : () -> ()
    "tpu.region"() ({
      %run_scoped3A = tpu.sem_alloc : memref<!tpu.dma_semaphore, #tpu.memory_space<semaphore_mem>>
      tpu.enqueue_dma source(%arg4 : memref<416xf32, #tpu.memory_space<hbm>>) target(%arg10 : memref<416xf32, #tpu.memory_space<vmem>>) target_semaphore(%run_scoped3A : memref<!tpu.dma_semaphore, #tpu.memory_space<semaphore_mem>>)
      tpu.wait_dma2 semaphore(%run_scoped3A : memref<!tpu.dma_semaphore, #tpu.memory_space<semaphore_mem>>) src(%arg4 : memref<416xf32, #tpu.memory_space<hbm>>) dst(%arg10 : memref<416xf32, #tpu.memory_space<vmem>>)
      tpu.yield
    }) : () -> ()
    %broadcast_in_dim3A = arith.constant 0 : i32
    %broadcast_in_dim3A_31 = vector.broadcast %broadcast_in_dim3A : i32 to vector<16xi32>
    %add3A_32 = arith.constant 384 : i32
    %add3A_33 = vector.broadcast %add3A_32 : i32 to vector<16xi32>
    %add3A_34 = arith.addi %broadcast_in_dim3A_31, %add3A_33 : vector<16xi32>
    %gather3A = tpu.vector_load_idx %arg10[%add3A_34] : memref<416xf32, #tpu.memory_space<vmem>>[vector<16xi32>], vector<16xf32>,
    %add3A_35 = arith.constant 385 : i32
    %add3A_36 = vector.broadcast %add3A_35 : i32 to vector<16xi32>
    %add3A_37 = arith.addi %broadcast_in_dim3A_31, %add3A_36 : vector<16xi32>
    %gather3A_38 = tpu.vector_load_idx %arg10[%add3A_37] : memref<416xf32, #tpu.memory_space<vmem>>[vector<16xi32>], vector<16xf32>,
    %add3A_39 = arith.constant 386 : i32
    %add3A_40 = vector.broadcast %add3A_39 : i32 to vector<16xi32>
    %add3A_41 = arith.addi %broadcast_in_dim3A_31, %add3A_40 : vector<16xi32>
    %gather3A_42 = tpu.vector_load_idx %arg10[%add3A_41] : memref<416xf32, #tpu.memory_space<vmem>>[vector<16xi32>], vector<16xf32>,
    %iota3A = tpu.iota {dimensions = array<i32: 0>} : vector<16xi32>
    %mul3A_43 = arith.constant 4 : i32
    %mul3A_44 = vector.broadcast %mul3A_43 : i32 to vector<16xi32>
    %mul3A_45 = arith.muli %iota3A, %mul3A_44 : vector<16xi32>
    %broadcast_in_dim3A_46 = arith.constant 0.000000e+00 : f32
    %broadcast_in_dim3A_47 = vector.broadcast %broadcast_in_dim3A_46 : f32 to vector<16xf32>
    %scan3A = arith.constant 0 : i32
    %scan3A_48 = arith.constant 4 : i32
    %scan3A_49 = arith.addi %scan3A, %scan3A_48 : i32
    %scan3A_50 = arith.constant 1 : i32
    %scan3A_51 = scf.for %scan3A_54 = %scan3A to %scan3A_49 step %scan3A_50 iter_args(%scan3A_55 = %broadcast_in_dim3A_47) -> (vector<16xf32>)  : i32 {
      %mul3A_56 = arith.constant 8192 : i32
      %mul3A_57 = arith.muli %select_n3A_30, %mul3A_56 : i32
      %mul3A_58 = arith.constant 2048 : i32
      %mul3A_59 = arith.muli %scan3A_54, %mul3A_58 : i32
      %add3A_60 = arith.addi %mul3A_57, %mul3A_59 : i32
      "tpu.region"() ({
        %run_scoped3A = tpu.sem_alloc : memref<!tpu.dma_semaphore, #tpu.memory_space<semaphore_mem>>
        %dma_start3A = tpu.memref_slice %arg3[%select_n3A, %add3A_60] : memref<16x16384xi32, #tpu.memory_space<hbm>> -> memref<1x2048xi32, #tpu.memory_space<hbm>>
        %dma_start3A_69 = tpu.memref_squeeze %dma_start3A : memref<1x2048xi32, #tpu.memory_space<hbm>> -> memref<2048xi32, #tpu.memory_space<hbm>>
        %dma_start3A_70 = tpu.memref_slice %arg3[%select_n3A, %add3A_60] : memref<16x16384xi32, #tpu.memory_space<hbm>> -> memref<1x2048xi32, #tpu.memory_space<hbm>>
        %dma_start3A_71 = tpu.memref_squeeze %dma_start3A_70 : memref<1x2048xi32, #tpu.memory_space<hbm>> -> memref<2048xi32, #tpu.memory_space<hbm>>
        tpu.enqueue_dma source(%dma_start3A_71 : memref<2048xi32, #tpu.memory_space<hbm>>) target(%arg8 : memref<2048xi32, #tpu.memory_space<vmem>>) target_semaphore(%run_scoped3A : memref<!tpu.dma_semaphore, #tpu.memory_space<semaphore_mem>>)
        %dma_wait3A = tpu.memref_slice %arg3[%select_n3A, %add3A_60] : memref<16x16384xi32, #tpu.memory_space<hbm>> -> memref<1x2048xi32, #tpu.memory_space<hbm>>
        %dma_wait3A_72 = tpu.memref_squeeze %dma_wait3A : memref<1x2048xi32, #tpu.memory_space<hbm>> -> memref<2048xi32, #tpu.memory_space<hbm>>
        %dma_wait3A_73 = tpu.memref_slice %arg3[%select_n3A, %add3A_60] : memref<16x16384xi32, #tpu.memory_space<hbm>> -> memref<1x2048xi32, #tpu.memory_space<hbm>>
        %dma_wait3A_74 = tpu.memref_squeeze %dma_wait3A_73 : memref<1x2048xi32, #tpu.memory_space<hbm>> -> memref<2048xi32, #tpu.memory_space<hbm>>
        tpu.wait_dma2 semaphore(%run_scoped3A : memref<!tpu.dma_semaphore, #tpu.memory_space<semaphore_mem>>) src(%dma_wait3A_74 : memref<2048xi32, #tpu.memory_space<hbm>>) dst(%arg8 : memref<2048xi32, #tpu.memory_space<vmem>>)
        tpu.yield
      }) : () -> ()
      %scan3A_61 = arith.constant 0 : i32
      %scan3A_62 = arith.constant 16 : i32
      %scan3A_63 = arith.addi %scan3A_61, %scan3A_62 : i32
      %scan3A_64 = arith.constant 1 : i32
      %scan3A_65 = scf.for %scan3A_69 = %scan3A_61 to %scan3A_63 step %scan3A_64 iter_args(%scan3A_70 = %scan3A_55) -> (vector<16xf32>)  : i32 {
        %mul3A_71 = arith.constant 128 : i32
        %mul3A_72 = arith.muli %scan3A_69, %mul3A_71 : i32
        %add3A_73 = arith.constant 0 : i32
        %add3A_74 = arith.addi %mul3A_72, %add3A_73 : i32
        %get3A = arith.index_cast %add3A_74 : i32 to index
        %get3A_75 = tpu.vector_load %arg8[%get3A] {strides = array<i32>} : memref<2048xi32, #tpu.memory_space<vmem>>, vector<16xi32>,
        %add3A_76 = arith.constant 16 : i32
        %add3A_77 = arith.addi %mul3A_72, %add3A_76 : i32
        %get3A_78 = arith.index_cast %add3A_77 : i32 to index
        %get3A_79 = tpu.vector_load %arg8[%get3A_78] {strides = array<i32>} : memref<2048xi32, #tpu.memory_space<vmem>>, vector<16xi32>,
        %add3A_80 = arith.constant 32 : i32
        %add3A_81 = arith.addi %mul3A_72, %add3A_80 : i32
        %get3A_82 = arith.index_cast %add3A_81 : i32 to index
        %get3A_83 = tpu.vector_load %arg8[%get3A_82] {strides = array<i32>} : memref<2048xi32, #tpu.memory_space<vmem>>, vector<16xi32>,
        %add3A_84 = arith.constant 48 : i32
        %add3A_85 = arith.addi %mul3A_72, %add3A_84 : i32
        %get3A_86 = arith.index_cast %add3A_85 : i32 to index
        %get3A_87 = tpu.vector_load %arg8[%get3A_86] {strides = array<i32>} : memref<2048xi32, #tpu.memory_space<vmem>>, vector<16xi32>,
        %add3A_88 = arith.constant 64 : i32
        %add3A_89 = arith.addi %mul3A_72, %add3A_88 : i32
        %get3A_90 = arith.index_cast %add3A_89 : i32 to index
        %get3A_91 = tpu.vector_load %arg8[%get3A_90] {strides = array<i32>} : memref<2048xi32, #tpu.memory_space<vmem>>, vector<16xi32>,
        %add3A_92 = arith.constant 80 : i32
        %add3A_93 = arith.addi %mul3A_72, %add3A_92 : i32
        %get3A_94 = arith.index_cast %add3A_93 : i32 to index
        %get3A_95 = tpu.vector_load %arg8[%get3A_94] {strides = array<i32>} : memref<2048xi32, #tpu.memory_space<vmem>>, vector<16xi32>,
        %add3A_96 = arith.constant 96 : i32
        %add3A_97 = arith.addi %mul3A_72, %add3A_96 : i32
        %get3A_98 = arith.index_cast %add3A_97 : i32 to index
        %get3A_99 = tpu.vector_load %arg8[%get3A_98] {strides = array<i32>} : memref<2048xi32, #tpu.memory_space<vmem>>, vector<16xi32>,
        %add3A_100 = arith.constant 112 : i32
        %add3A_101 = arith.addi %mul3A_72, %add3A_100 : i32
        %get3A_102 = arith.index_cast %add3A_101 : i32 to index
        %get3A_103 = tpu.vector_load %arg8[%get3A_102] {strides = array<i32>} : memref<2048xi32, #tpu.memory_space<vmem>>, vector<16xi32>,
        %shift_right_logical3A = arith.constant 10 : i32
        %shift_right_logical3A_104 = vector.broadcast %shift_right_logical3A : i32 to vector<16xi32>
        %shift_right_logical3A_105 = arith.shrui %get3A_75, %shift_right_logical3A_104 : vector<16xi32>
        %shift_right_logical3A_106 = arith.constant 10 : i32
        %shift_right_logical3A_107 = vector.broadcast %shift_right_logical3A_106 : i32 to vector<16xi32>
        %shift_right_logical3A_108 = arith.shrui %get3A_79, %shift_right_logical3A_107 : vector<16xi32>
        %shift_right_logical3A_109 = arith.constant 10 : i32
        %shift_right_logical3A_110 = vector.broadcast %shift_right_logical3A_109 : i32 to vector<16xi32>
        %shift_right_logical3A_111 = arith.shrui %get3A_83, %shift_right_logical3A_110 : vector<16xi32>
        %shift_right_logical3A_112 = arith.constant 10 : i32
        %shift_right_logical3A_113 = vector.broadcast %shift_right_logical3A_112 : i32 to vector<16xi32>
        %shift_right_logical3A_114 = arith.shrui %get3A_87, %shift_right_logical3A_113 : vector<16xi32>
        %shift_right_logical3A_115 = arith.constant 10 : i32
        %shift_right_logical3A_116 = vector.broadcast %shift_right_logical3A_115 : i32 to vector<16xi32>
        %shift_right_logical3A_117 = arith.shrui %get3A_91, %shift_right_logical3A_116 : vector<16xi32>
        %shift_right_logical3A_118 = arith.constant 10 : i32
        %shift_right_logical3A_119 = vector.broadcast %shift_right_logical3A_118 : i32 to vector<16xi32>
        %shift_right_logical3A_120 = arith.shrui %get3A_95, %shift_right_logical3A_119 : vector<16xi32>
        %shift_right_logical3A_121 = arith.constant 10 : i32
        %shift_right_logical3A_122 = vector.broadcast %shift_right_logical3A_121 : i32 to vector<16xi32>
        %shift_right_logical3A_123 = arith.shrui %get3A_99, %shift_right_logical3A_122 : vector<16xi32>
        %shift_right_logical3A_124 = arith.constant 10 : i32
        %shift_right_logical3A_125 = vector.broadcast %shift_right_logical3A_124 : i32 to vector<16xi32>
        %shift_right_logical3A_126 = arith.shrui %get3A_103, %shift_right_logical3A_125 : vector<16xi32>
        %shift_right_logical3A_127 = arith.constant 1 : i32
        %shift_right_logical3A_128 = vector.broadcast %shift_right_logical3A_127 : i32 to vector<16xi32>
        %shift_right_logical3A_129 = arith.shrui %get3A_75, %shift_right_logical3A_128 : vector<16xi32>
        %and3A_130 = arith.constant 511 : i32
        %and3A_131 = vector.broadcast %and3A_130 : i32 to vector<16xi32>
        %and3A_132 = arith.andi %shift_right_logical3A_129, %and3A_131 : vector<16xi32>
        %shift_right_logical3A_133 = arith.constant 1 : i32
        %shift_right_logical3A_134 = vector.broadcast %shift_right_logical3A_133 : i32 to vector<16xi32>
        %shift_right_logical3A_135 = arith.shrui %get3A_79, %shift_right_logical3A_134 : vector<16xi32>
        %and3A_136 = arith.constant 511 : i32
        %and3A_137 = vector.broadcast %and3A_136 : i32 to vector<16xi32>
        %and3A_138 = arith.andi %shift_right_logical3A_135, %and3A_137 : vector<16xi32>
        %shift_right_logical3A_139 = arith.constant 1 : i32
        %shift_right_logical3A_140 = vector.broadcast %shift_right_logical3A_139 : i32 to vector<16xi32>
        %shift_right_logical3A_141 = arith.shrui %get3A_83, %shift_right_logical3A_140 : vector<16xi32>
        %and3A_142 = arith.constant 511 : i32
        %and3A_143 = vector.broadcast %and3A_142 : i32 to vector<16xi32>
        %and3A_144 = arith.andi %shift_right_logical3A_141, %and3A_143 : vector<16xi32>
        %shift_right_logical3A_145 = arith.constant 1 : i32
        %shift_right_logical3A_146 = vector.broadcast %shift_right_logical3A_145 : i32 to vector<16xi32>
        %shift_right_logical3A_147 = arith.shrui %get3A_87, %shift_right_logical3A_146 : vector<16xi32>
        %and3A_148 = arith.constant 511 : i32
        %and3A_149 = vector.broadcast %and3A_148 : i32 to vector<16xi32>
        %and3A_150 = arith.andi %shift_right_logical3A_147, %and3A_149 : vector<16xi32>
        %shift_right_logical3A_151 = arith.constant 1 : i32
        %shift_right_logical3A_152 = vector.broadcast %shift_right_logical3A_151 : i32 to vector<16xi32>
        %shift_right_logical3A_153 = arith.shrui %get3A_91, %shift_right_logical3A_152 : vector<16xi32>
        %and3A_154 = arith.constant 511 : i32
        %and3A_155 = vector.broadcast %and3A_154 : i32 to vector<16xi32>
        %and3A_156 = arith.andi %shift_right_logical3A_153, %and3A_155 : vector<16xi32>
        %shift_right_logical3A_157 = arith.constant 1 : i32
        %shift_right_logical3A_158 = vector.broadcast %shift_right_logical3A_157 : i32 to vector<16xi32>
        %shift_right_logical3A_159 = arith.shrui %get3A_95, %shift_right_logical3A_158 : vector<16xi32>
        %and3A_160 = arith.constant 511 : i32
        %and3A_161 = vector.broadcast %and3A_160 : i32 to vector<16xi32>
        %and3A_162 = arith.andi %shift_right_logical3A_159, %and3A_161 : vector<16xi32>
        %shift_right_logical3A_163 = arith.constant 1 : i32
        %shift_right_logical3A_164 = vector.broadcast %shift_right_logical3A_163 : i32 to vector<16xi32>
        %shift_right_logical3A_165 = arith.shrui %get3A_99, %shift_right_logical3A_164 : vector<16xi32>
        %and3A_166 = arith.constant 511 : i32
        %and3A_167 = vector.broadcast %and3A_166 : i32 to vector<16xi32>
        %and3A_168 = arith.andi %shift_right_logical3A_165, %and3A_167 : vector<16xi32>
        %shift_right_logical3A_169 = arith.constant 1 : i32
        %shift_right_logical3A_170 = vector.broadcast %shift_right_logical3A_169 : i32 to vector<16xi32>
        %shift_right_logical3A_171 = arith.shrui %get3A_103, %shift_right_logical3A_170 : vector<16xi32>
        %and3A_172 = arith.constant 511 : i32
        %and3A_173 = vector.broadcast %and3A_172 : i32 to vector<16xi32>
        %and3A_174 = arith.andi %shift_right_logical3A_171, %and3A_173 : vector<16xi32>
        %and3A_175 = arith.constant 1 : i32
        %and3A_176 = vector.broadcast %and3A_175 : i32 to vector<16xi32>
        %and3A_177 = arith.andi %get3A_75, %and3A_176 : vector<16xi32>
        %convert_element_type3A = arith.sitofp %and3A_177 : vector<16xi32> to vector<16xf32>
        %and3A_178 = arith.constant 1 : i32
        %and3A_179 = vector.broadcast %and3A_178 : i32 to vector<16xi32>
        %and3A_180 = arith.andi %get3A_79, %and3A_179 : vector<16xi32>
        %convert_element_type3A_181 = arith.sitofp %and3A_180 : vector<16xi32> to vector<16xf32>
        %and3A_182 = arith.constant 1 : i32
        %and3A_183 = vector.broadcast %and3A_182 : i32 to vector<16xi32>
        %and3A_184 = arith.andi %get3A_83, %and3A_183 : vector<16xi32>
        %convert_element_type3A_185 = arith.sitofp %and3A_184 : vector<16xi32> to vector<16xf32>
        %and3A_186 = arith.constant 1 : i32
        %and3A_187 = vector.broadcast %and3A_186 : i32 to vector<16xi32>
        %and3A_188 = arith.andi %get3A_87, %and3A_187 : vector<16xi32>
        %convert_element_type3A_189 = arith.sitofp %and3A_188 : vector<16xi32> to vector<16xf32>
        %and3A_190 = arith.constant 1 : i32
        %and3A_191 = vector.broadcast %and3A_190 : i32 to vector<16xi32>
        %and3A_192 = arith.andi %get3A_91, %and3A_191 : vector<16xi32>
        %convert_element_type3A_193 = arith.sitofp %and3A_192 : vector<16xi32> to vector<16xf32>
        %and3A_194 = arith.constant 1 : i32
        %and3A_195 = vector.broadcast %and3A_194 : i32 to vector<16xi32>
        %and3A_196 = arith.andi %get3A_95, %and3A_195 : vector<16xi32>
        %convert_element_type3A_197 = arith.sitofp %and3A_196 : vector<16xi32> to vector<16xf32>
        %and3A_198 = arith.constant 1 : i32
        %and3A_199 = vector.broadcast %and3A_198 : i32 to vector<16xi32>
        %and3A_200 = arith.andi %get3A_99, %and3A_199 : vector<16xi32>
        %convert_element_type3A_201 = arith.sitofp %and3A_200 : vector<16xi32> to vector<16xf32>
        %and3A_202 = arith.constant 1 : i32
        %and3A_203 = vector.broadcast %and3A_202 : i32 to vector<16xi32>
        %and3A_204 = arith.andi %get3A_103, %and3A_203 : vector<16xi32>
        %convert_element_type3A_205 = arith.sitofp %and3A_204 : vector<16xi32> to vector<16xf32>
        %mul3A_206 = arith.constant 200 : i32
        %mul3A_207 = vector.broadcast %mul3A_206 : i32 to vector<16xi32>
        %mul3A_208 = arith.muli %shift_right_logical3A_105, %mul3A_207 : vector<16xi32>
        %mul3A_209 = arith.constant 200 : i32
        %mul3A_210 = vector.broadcast %mul3A_209 : i32 to vector<16xi32>
        %mul3A_211 = arith.muli %shift_right_logical3A_108, %mul3A_210 : vector<16xi32>
        %mul3A_212 = arith.constant 200 : i32
        %mul3A_213 = vector.broadcast %mul3A_212 : i32 to vector<16xi32>
        %mul3A_214 = arith.muli %shift_right_logical3A_111, %mul3A_213 : vector<16xi32>
        %mul3A_215 = arith.constant 200 : i32
        %mul3A_216 = vector.broadcast %mul3A_215 : i32 to vector<16xi32>
        %mul3A_217 = arith.muli %shift_right_logical3A_114, %mul3A_216 : vector<16xi32>
        %mul3A_218 = arith.constant 200 : i32
        %mul3A_219 = vector.broadcast %mul3A_218 : i32 to vector<16xi32>
        %mul3A_220 = arith.muli %shift_right_logical3A_117, %mul3A_219 : vector<16xi32>
        %mul3A_221 = arith.constant 200 : i32
        %mul3A_222 = vector.broadcast %mul3A_221 : i32 to vector<16xi32>
        %mul3A_223 = arith.muli %shift_right_logical3A_120, %mul3A_222 : vector<16xi32>
        %mul3A_224 = arith.constant 200 : i32
        %mul3A_225 = vector.broadcast %mul3A_224 : i32 to vector<16xi32>
        %mul3A_226 = arith.muli %shift_right_logical3A_123, %mul3A_225 : vector<16xi32>
        %mul3A_227 = arith.constant 200 : i32
        %mul3A_228 = vector.broadcast %mul3A_227 : i32 to vector<16xi32>
        %mul3A_229 = arith.muli %shift_right_logical3A_126, %mul3A_228 : vector<16xi32>
        %mul3A_230 = arith.constant 200 : i32
        %mul3A_231 = vector.broadcast %mul3A_230 : i32 to vector<16xi32>
        %mul3A_232 = arith.muli %and3A_132, %mul3A_231 : vector<16xi32>
        %add3A_233 = arith.constant 100 : i32
        %add3A_234 = vector.broadcast %add3A_233 : i32 to vector<16xi32>
        %add3A_235 = arith.addi %mul3A_232, %add3A_234 : vector<16xi32>
        %mul3A_236 = arith.constant 200 : i32
        %mul3A_237 = vector.broadcast %mul3A_236 : i32 to vector<16xi32>
        %mul3A_238 = arith.muli %and3A_138, %mul3A_237 : vector<16xi32>
        %add3A_239 = arith.constant 100 : i32
        %add3A_240 = vector.broadcast %add3A_239 : i32 to vector<16xi32>
        %add3A_241 = arith.addi %mul3A_238, %add3A_240 : vector<16xi32>
        %mul3A_242 = arith.constant 200 : i32
        %mul3A_243 = vector.broadcast %mul3A_242 : i32 to vector<16xi32>
        %mul3A_244 = arith.muli %and3A_144, %mul3A_243 : vector<16xi32>
        %add3A_245 = arith.constant 100 : i32
        %add3A_246 = vector.broadcast %add3A_245 : i32 to vector<16xi32>
        %add3A_247 = arith.addi %mul3A_244, %add3A_246 : vector<16xi32>
        %mul3A_248 = arith.constant 200 : i32
        %mul3A_249 = vector.broadcast %mul3A_248 : i32 to vector<16xi32>
        %mul3A_250 = arith.muli %and3A_150, %mul3A_249 : vector<16xi32>
        %add3A_251 = arith.constant 100 : i32
        %add3A_252 = vector.broadcast %add3A_251 : i32 to vector<16xi32>
        %add3A_253 = arith.addi %mul3A_250, %add3A_252 : vector<16xi32>
        %mul3A_254 = arith.constant 200 : i32
        %mul3A_255 = vector.broadcast %mul3A_254 : i32 to vector<16xi32>
        %mul3A_256 = arith.muli %and3A_156, %mul3A_255 : vector<16xi32>
        %add3A_257 = arith.constant 100 : i32
        %add3A_258 = vector.broadcast %add3A_257 : i32 to vector<16xi32>
        %add3A_259 = arith.addi %mul3A_256, %add3A_258 : vector<16xi32>
        %mul3A_260 = arith.constant 200 : i32
        %mul3A_261 = vector.broadcast %mul3A_260 : i32 to vector<16xi32>
        %mul3A_262 = arith.muli %and3A_162, %mul3A_261 : vector<16xi32>
        %add3A_263 = arith.constant 100 : i32
        %add3A_264 = vector.broadcast %add3A_263 : i32 to vector<16xi32>
        %add3A_265 = arith.addi %mul3A_262, %add3A_264 : vector<16xi32>
        %mul3A_266 = arith.constant 200 : i32
        %mul3A_267 = vector.broadcast %mul3A_266 : i32 to vector<16xi32>
        %mul3A_268 = arith.muli %and3A_168, %mul3A_267 : vector<16xi32>
        %add3A_269 = arith.constant 100 : i32
        %add3A_270 = vector.broadcast %add3A_269 : i32 to vector<16xi32>
        %add3A_271 = arith.addi %mul3A_268, %add3A_270 : vector<16xi32>
        %mul3A_272 = arith.constant 200 : i32
        %mul3A_273 = vector.broadcast %mul3A_272 : i32 to vector<16xi32>
        %mul3A_274 = arith.muli %and3A_174, %mul3A_273 : vector<16xi32>
        %add3A_275 = arith.constant 100 : i32
        %add3A_276 = vector.broadcast %add3A_275 : i32 to vector<16xi32>
        %add3A_277 = arith.addi %mul3A_274, %add3A_276 : vector<16xi32>
        %broadcast_in_dim3A_278 = arith.constant 0.000000e+00 : f32
        %broadcast_in_dim3A_279 = vector.broadcast %broadcast_in_dim3A_278 : f32 to vector<16xf32>
        %broadcast_in_dim3A_280 = arith.constant 0.000000e+00 : f32
        %broadcast_in_dim3A_281 = vector.broadcast %broadcast_in_dim3A_280 : f32 to vector<16xf32>
        %broadcast_in_dim3A_282 = arith.constant 0.000000e+00 : f32
        %broadcast_in_dim3A_283 = vector.broadcast %broadcast_in_dim3A_282 : f32 to vector<16xf32>
        %broadcast_in_dim3A_284 = arith.constant 0.000000e+00 : f32
        %broadcast_in_dim3A_285 = vector.broadcast %broadcast_in_dim3A_284 : f32 to vector<16xf32>
        %broadcast_in_dim3A_286 = arith.constant 0.000000e+00 : f32
        %broadcast_in_dim3A_287 = vector.broadcast %broadcast_in_dim3A_286 : f32 to vector<16xf32>
        %broadcast_in_dim3A_288 = arith.constant 0.000000e+00 : f32
        %broadcast_in_dim3A_289 = vector.broadcast %broadcast_in_dim3A_288 : f32 to vector<16xf32>
        %broadcast_in_dim3A_290 = arith.constant 0.000000e+00 : f32
        %broadcast_in_dim3A_291 = vector.broadcast %broadcast_in_dim3A_290 : f32 to vector<16xf32>
        %broadcast_in_dim3A_292 = arith.constant 0.000000e+00 : f32
        %broadcast_in_dim3A_293 = vector.broadcast %broadcast_in_dim3A_292 : f32 to vector<16xf32>
        %broadcast_in_dim3A_294 = arith.constant 0.000000e+00 : f32
        %broadcast_in_dim3A_295 = vector.broadcast %broadcast_in_dim3A_294 : f32 to vector<16xf32>
        %broadcast_in_dim3A_296 = arith.constant 0.000000e+00 : f32
        %broadcast_in_dim3A_297 = vector.broadcast %broadcast_in_dim3A_296 : f32 to vector<16xf32>
        %broadcast_in_dim3A_298 = arith.constant 0.000000e+00 : f32
        %broadcast_in_dim3A_299 = vector.broadcast %broadcast_in_dim3A_298 : f32 to vector<16xf32>
        %broadcast_in_dim3A_300 = arith.constant 0.000000e+00 : f32
        %broadcast_in_dim3A_301 = vector.broadcast %broadcast_in_dim3A_300 : f32 to vector<16xf32>
        %broadcast_in_dim3A_302 = arith.constant 0.000000e+00 : f32
        %broadcast_in_dim3A_303 = vector.broadcast %broadcast_in_dim3A_302 : f32 to vector<16xf32>
        %broadcast_in_dim3A_304 = arith.constant 0.000000e+00 : f32
        %broadcast_in_dim3A_305 = vector.broadcast %broadcast_in_dim3A_304 : f32 to vector<16xf32>
        %broadcast_in_dim3A_306 = arith.constant 0.000000e+00 : f32
        %broadcast_in_dim3A_307 = vector.broadcast %broadcast_in_dim3A_306 : f32 to vector<16xf32>
        %broadcast_in_dim3A_308 = arith.constant 0.000000e+00 : f32
        %broadcast_in_dim3A_309 = vector.broadcast %broadcast_in_dim3A_308 : f32 to vector<16xf32>
        %broadcast_in_dim3A_310 = arith.constant 0.000000e+00 : f32
        %broadcast_in_dim3A_311 = vector.broadcast %broadcast_in_dim3A_310 : f32 to vector<16xf32>
        %broadcast_in_dim3A_312 = arith.constant 0.000000e+00 : f32
        %broadcast_in_dim3A_313 = vector.broadcast %broadcast_in_dim3A_312 : f32 to vector<16xf32>
        %broadcast_in_dim3A_314 = arith.constant 0.000000e+00 : f32
        %broadcast_in_dim3A_315 = vector.broadcast %broadcast_in_dim3A_314 : f32 to vector<16xf32>
        %broadcast_in_dim3A_316 = arith.constant 0.000000e+00 : f32
        %broadcast_in_dim3A_317 = vector.broadcast %broadcast_in_dim3A_316 : f32 to vector<16xf32>
        %broadcast_in_dim3A_318 = arith.constant 0.000000e+00 : f32
        %broadcast_in_dim3A_319 = vector.broadcast %broadcast_in_dim3A_318 : f32 to vector<16xf32>
        %broadcast_in_dim3A_320 = arith.constant 0.000000e+00 : f32
        %broadcast_in_dim3A_321 = vector.broadcast %broadcast_in_dim3A_320 : f32 to vector<16xf32>
        %broadcast_in_dim3A_322 = arith.constant 0.000000e+00 : f32
        %broadcast_in_dim3A_323 = vector.broadcast %broadcast_in_dim3A_322 : f32 to vector<16xf32>
        %broadcast_in_dim3A_324 = arith.constant 0.000000e+00 : f32
        %broadcast_in_dim3A_325 = vector.broadcast %broadcast_in_dim3A_324 : f32 to vector<16xf32>
        %scan3A_326 = arith.constant 0 : i32
        %scan3A_327 = arith.constant 100 : i32
        %scan3A_328 = arith.addi %scan3A_326, %scan3A_327 : i32
        %scan3A_329 = arith.constant 1 : i32
        %scan3A_330:40 = scf.for %scan3A_554 = %scan3A_326 to %scan3A_328 step %scan3A_329 iter_args(%scan3A_555 = %broadcast_in_dim3A_279, %scan3A_556 = %broadcast_in_dim3A_281, %scan3A_557 = %broadcast_in_dim3A_283, %scan3A_558 = %broadcast_in_dim3A_285, %scan3A_559 = %broadcast_in_dim3A_287, %scan3A_560 = %broadcast_in_dim3A_289, %scan3A_561 = %broadcast_in_dim3A_291, %scan3A_562 = %broadcast_in_dim3A_293, %scan3A_563 = %broadcast_in_dim3A_295, %scan3A_564 = %broadcast_in_dim3A_297, %scan3A_565 = %broadcast_in_dim3A_299, %scan3A_566 = %broadcast_in_dim3A_301, %scan3A_567 = %broadcast_in_dim3A_303, %scan3A_568 = %broadcast_in_dim3A_305, %scan3A_569 = %broadcast_in_dim3A_307, %scan3A_570 = %broadcast_in_dim3A_309, %scan3A_571 = %broadcast_in_dim3A_311, %scan3A_572 = %broadcast_in_dim3A_313, %scan3A_573 = %broadcast_in_dim3A_315, %scan3A_574 = %broadcast_in_dim3A_317, %scan3A_575 = %broadcast_in_dim3A_319, %scan3A_576 = %broadcast_in_dim3A_321, %scan3A_577 = %broadcast_in_dim3A_323, %scan3A_578 = %broadcast_in_dim3A_325, %scan3A_579 = %mul3A_208, %scan3A_580 = %mul3A_211, %scan3A_581 = %mul3A_214, %scan3A_582 = %mul3A_217, %scan3A_583 = %mul3A_220, %scan3A_584 = %mul3A_223, %scan3A_585 = %mul3A_226, %scan3A_586 = %mul3A_229, %scan3A_587 = %add3A_235, %scan3A_588 = %add3A_241, %scan3A_589 = %add3A_247, %scan3A_590 = %add3A_253, %scan3A_591 = %add3A_259, %scan3A_592 = %add3A_265, %scan3A_593 = %add3A_271, %scan3A_594 = %add3A_277) -> (vector<16xf32>, vector<16xf32>, vector<16xf32>, vector<16xf32>, vector<16xf32>, vector<16xf32>, vector<16xf32>, vector<16xf32>, vector<16xf32>, vector<16xf32>, vector<16xf32>, vector<16xf32>, vector<16xf32>, vector<16xf32>, vector<16xf32>, vector<16xf32>, vector<16xf32>, vector<16xf32>, vector<16xf32>, vector<16xf32>, vector<16xf32>, vector<16xf32>, vector<16xf32>, vector<16xf32>, vector<16xi32>, vector<16xi32>, vector<16xi32>, vector<16xi32>, vector<16xi32>, vector<16xi32>, vector<16xi32>, vector<16xi32>, vector<16xi32>, vector<16xi32>, vector<16xi32>, vector<16xi32>, vector<16xi32>, vector<16xi32>, vector<16xi32>, vector<16xi32>)  : i32 {
          %add3A_595 = arith.constant 0 : i32
          %add3A_596 = vector.broadcast %add3A_595 : i32 to vector<16xi32>
          %add3A_597 = arith.addi %broadcast_in_dim3A_31, %add3A_596 : vector<16xi32>
          %add3A_598 = vector.broadcast %scan3A_554 : i32 to vector<16xi32>
          %add3A_599 = arith.addi %add3A_597, %add3A_598 : vector<16xi32>
          %gather3A_600 = tpu.vector_load_idx %arg10[%add3A_599] : memref<416xf32, #tpu.memory_space<vmem>>[vector<16xi32>], vector<16xf32>,
          %add3A_601 = arith.constant 128 : i32
          %add3A_602 = vector.broadcast %add3A_601 : i32 to vector<16xi32>
          %add3A_603 = arith.addi %broadcast_in_dim3A_31, %add3A_602 : vector<16xi32>
          %add3A_604 = vector.broadcast %scan3A_554 : i32 to vector<16xi32>
          %add3A_605 = arith.addi %add3A_603, %add3A_604 : vector<16xi32>
          %gather3A_606 = tpu.vector_load_idx %arg10[%add3A_605] : memref<416xf32, #tpu.memory_space<vmem>>[vector<16xi32>], vector<16xf32>,
          %add3A_607 = arith.constant 256 : i32
          %add3A_608 = vector.broadcast %add3A_607 : i32 to vector<16xi32>
          %add3A_609 = arith.addi %broadcast_in_dim3A_31, %add3A_608 : vector<16xi32>
          %add3A_610 = vector.broadcast %scan3A_554 : i32 to vector<16xi32>
          %add3A_611 = arith.addi %add3A_609, %add3A_610 : vector<16xi32>
          %gather3A_612 = tpu.vector_load_idx %arg10[%add3A_611] : memref<416xf32, #tpu.memory_space<vmem>>[vector<16xi32>], vector<16xf32>,
          %gather3A_613 = tpu.vector_load_idx %arg7[%scan3A_579] : memref<102400xf32, #tpu.memory_space<vmem>>[vector<16xi32>], vector<16xf32>,
          %gather3A_614 = tpu.vector_load_idx %arg7[%scan3A_587] : memref<102400xf32, #tpu.memory_space<vmem>>[vector<16xi32>], vector<16xf32>,
          %add3A_615 = arith.addf %gather3A_613, %gather3A_614 : vector<16xf32>
          %max3A_616 = arith.constant 0.000000e+00 : f32
          %max3A_617 = vector.broadcast %max3A_616 : f32 to vector<16xf32>
          %max3A_618 = arith.maximumf %add3A_615, %max3A_617 : vector<16xf32>
          %mul3A_619 = arith.mulf %max3A_618, %gather3A_600 : vector<16xf32>
          %add3A_620 = arith.addf %scan3A_555, %mul3A_619 : vector<16xf32>
          %mul3A_621 = arith.mulf %max3A_618, %gather3A_606 : vector<16xf32>
          %add3A_622 = arith.addf %scan3A_556, %mul3A_621 : vector<16xf32>
          %mul3A_623 = arith.mulf %max3A_618, %gather3A_612 : vector<16xf32>
          %add3A_624 = arith.addf %scan3A_557, %mul3A_623 : vector<16xf32>
          %add3A_625 = arith.constant 1 : i32
          %add3A_626 = vector.broadcast %add3A_625 : i32 to vector<16xi32>
          %add3A_627 = arith.addi %scan3A_579, %add3A_626 : vector<16xi32>
          %add3A_628 = arith.constant 1 : i32
          %add3A_629 = vector.broadcast %add3A_628 : i32 to vector<16xi32>
          %add3A_630 = arith.addi %scan3A_587, %add3A_629 : vector<16xi32>
          %gather3A_631 = tpu.vector_load_idx %arg7[%scan3A_580] : memref<102400xf32, #tpu.memory_space<vmem>>[vector<16xi32>], vector<16xf32>,
          %gather3A_632 = tpu.vector_load_idx %arg7[%scan3A_588] : memref<102400xf32, #tpu.memory_space<vmem>>[vector<16xi32>], vector<16xf32>,
          %add3A_633 = arith.addf %gather3A_631, %gather3A_632 : vector<16xf32>
          %max3A_634 = arith.constant 0.000000e+00 : f32
          %max3A_635 = vector.broadcast %max3A_634 : f32 to vector<16xf32>
          %max3A_636 = arith.maximumf %add3A_633, %max3A_635 : vector<16xf32>
          %mul3A_637 = arith.mulf %max3A_636, %gather3A_600 : vector<16xf32>
          %add3A_638 = arith.addf %scan3A_558, %mul3A_637 : vector<16xf32>
          %mul3A_639 = arith.mulf %max3A_636, %gather3A_606 : vector<16xf32>
          %add3A_640 = arith.addf %scan3A_559, %mul3A_639 : vector<16xf32>
          %mul3A_641 = arith.mulf %max3A_636, %gather3A_612 : vector<16xf32>
          %add3A_642 = arith.addf %scan3A_560, %mul3A_641 : vector<16xf32>
          %add3A_643 = arith.constant 1 : i32
          %add3A_644 = vector.broadcast %add3A_643 : i32 to vector<16xi32>
          %add3A_645 = arith.addi %scan3A_580, %add3A_644 : vector<16xi32>
          %add3A_646 = arith.constant 1 : i32
          %add3A_647 = vector.broadcast %add3A_646 : i32 to vector<16xi32>
          %add3A_648 = arith.addi %scan3A_588, %add3A_647 : vector<16xi32>
          %gather3A_649 = tpu.vector_load_idx %arg7[%scan3A_581] : memref<102400xf32, #tpu.memory_space<vmem>>[vector<16xi32>], vector<16xf32>,
          %gather3A_650 = tpu.vector_load_idx %arg7[%scan3A_589] : memref<102400xf32, #tpu.memory_space<vmem>>[vector<16xi32>], vector<16xf32>,
          %add3A_651 = arith.addf %gather3A_649, %gather3A_650 : vector<16xf32>
          %max3A_652 = arith.constant 0.000000e+00 : f32
          %max3A_653 = vector.broadcast %max3A_652 : f32 to vector<16xf32>
          %max3A_654 = arith.maximumf %add3A_651, %max3A_653 : vector<16xf32>
          %mul3A_655 = arith.mulf %max3A_654, %gather3A_600 : vector<16xf32>
          %add3A_656 = arith.addf %scan3A_561, %mul3A_655 : vector<16xf32>
          %mul3A_657 = arith.mulf %max3A_654, %gather3A_606 : vector<16xf32>
          %add3A_658 = arith.addf %scan3A_562, %mul3A_657 : vector<16xf32>
          %mul3A_659 = arith.mulf %max3A_654, %gather3A_612 : vector<16xf32>
          %add3A_660 = arith.addf %scan3A_563, %mul3A_659 : vector<16xf32>
          %add3A_661 = arith.constant 1 : i32
          %add3A_662 = vector.broadcast %add3A_661 : i32 to vector<16xi32>
          %add3A_663 = arith.addi %scan3A_581, %add3A_662 : vector<16xi32>
          %add3A_664 = arith.constant 1 : i32
          %add3A_665 = vector.broadcast %add3A_664 : i32 to vector<16xi32>
          %add3A_666 = arith.addi %scan3A_589, %add3A_665 : vector<16xi32>
          %gather3A_667 = tpu.vector_load_idx %arg7[%scan3A_582] : memref<102400xf32, #tpu.memory_space<vmem>>[vector<16xi32>], vector<16xf32>,
          %gather3A_668 = tpu.vector_load_idx %arg7[%scan3A_590] : memref<102400xf32, #tpu.memory_space<vmem>>[vector<16xi32>], vector<16xf32>,
          %add3A_669 = arith.addf %gather3A_667, %gather3A_668 : vector<16xf32>
          %max3A_670 = arith.constant 0.000000e+00 : f32
          %max3A_671 = vector.broadcast %max3A_670 : f32 to vector<16xf32>
          %max3A_672 = arith.maximumf %add3A_669, %max3A_671 : vector<16xf32>
          %mul3A_673 = arith.mulf %max3A_672, %gather3A_600 : vector<16xf32>
          %add3A_674 = arith.addf %scan3A_564, %mul3A_673 : vector<16xf32>
          %mul3A_675 = arith.mulf %max3A_672, %gather3A_606 : vector<16xf32>
          %add3A_676 = arith.addf %scan3A_565, %mul3A_675 : vector<16xf32>
          %mul3A_677 = arith.mulf %max3A_672, %gather3A_612 : vector<16xf32>
          %add3A_678 = arith.addf %scan3A_566, %mul3A_677 : vector<16xf32>
          %add3A_679 = arith.constant 1 : i32
          %add3A_680 = vector.broadcast %add3A_679 : i32 to vector<16xi32>
          %add3A_681 = arith.addi %scan3A_582, %add3A_680 : vector<16xi32>
          %add3A_682 = arith.constant 1 : i32
          %add3A_683 = vector.broadcast %add3A_682 : i32 to vector<16xi32>
          %add3A_684 = arith.addi %scan3A_590, %add3A_683 : vector<16xi32>
          %gather3A_685 = tpu.vector_load_idx %arg7[%scan3A_583] : memref<102400xf32, #tpu.memory_space<vmem>>[vector<16xi32>], vector<16xf32>,
          %gather3A_686 = tpu.vector_load_idx %arg7[%scan3A_591] : memref<102400xf32, #tpu.memory_space<vmem>>[vector<16xi32>], vector<16xf32>,
          %add3A_687 = arith.addf %gather3A_685, %gather3A_686 : vector<16xf32>
          %max3A_688 = arith.constant 0.000000e+00 : f32
          %max3A_689 = vector.broadcast %max3A_688 : f32 to vector<16xf32>
          %max3A_690 = arith.maximumf %add3A_687, %max3A_689 : vector<16xf32>
          %mul3A_691 = arith.mulf %max3A_690, %gather3A_600 : vector<16xf32>
          %add3A_692 = arith.addf %scan3A_567, %mul3A_691 : vector<16xf32>
          %mul3A_693 = arith.mulf %max3A_690, %gather3A_606 : vector<16xf32>
          %add3A_694 = arith.addf %scan3A_568, %mul3A_693 : vector<16xf32>
          %mul3A_695 = arith.mulf %max3A_690, %gather3A_612 : vector<16xf32>
          %add3A_696 = arith.addf %scan3A_569, %mul3A_695 : vector<16xf32>
          %add3A_697 = arith.constant 1 : i32
          %add3A_698 = vector.broadcast %add3A_697 : i32 to vector<16xi32>
          %add3A_699 = arith.addi %scan3A_583, %add3A_698 : vector<16xi32>
          %add3A_700 = arith.constant 1 : i32
          %add3A_701 = vector.broadcast %add3A_700 : i32 to vector<16xi32>
          %add3A_702 = arith.addi %scan3A_591, %add3A_701 : vector<16xi32>
          %gather3A_703 = tpu.vector_load_idx %arg7[%scan3A_584] : memref<102400xf32, #tpu.memory_space<vmem>>[vector<16xi32>], vector<16xf32>,
          %gather3A_704 = tpu.vector_load_idx %arg7[%scan3A_592] : memref<102400xf32, #tpu.memory_space<vmem>>[vector<16xi32>], vector<16xf32>,
          %add3A_705 = arith.addf %gather3A_703, %gather3A_704 : vector<16xf32>
          %max3A_706 = arith.constant 0.000000e+00 : f32
          %max3A_707 = vector.broadcast %max3A_706 : f32 to vector<16xf32>
          %max3A_708 = arith.maximumf %add3A_705, %max3A_707 : vector<16xf32>
          %mul3A_709 = arith.mulf %max3A_708, %gather3A_600 : vector<16xf32>
          %add3A_710 = arith.addf %scan3A_570, %mul3A_709 : vector<16xf32>
          %mul3A_711 = arith.mulf %max3A_708, %gather3A_606 : vector<16xf32>
          %add3A_712 = arith.addf %scan3A_571, %mul3A_711 : vector<16xf32>
          %mul3A_713 = arith.mulf %max3A_708, %gather3A_612 : vector<16xf32>
          %add3A_714 = arith.addf %scan3A_572, %mul3A_713 : vector<16xf32>
          %add3A_715 = arith.constant 1 : i32
          %add3A_716 = vector.broadcast %add3A_715 : i32 to vector<16xi32>
          %add3A_717 = arith.addi %scan3A_584, %add3A_716 : vector<16xi32>
          %add3A_718 = arith.constant 1 : i32
          %add3A_719 = vector.broadcast %add3A_718 : i32 to vector<16xi32>
          %add3A_720 = arith.addi %scan3A_592, %add3A_719 : vector<16xi32>
          %gather3A_721 = tpu.vector_load_idx %arg7[%scan3A_585] : memref<102400xf32, #tpu.memory_space<vmem>>[vector<16xi32>], vector<16xf32>,
          %gather3A_722 = tpu.vector_load_idx %arg7[%scan3A_593] : memref<102400xf32, #tpu.memory_space<vmem>>[vector<16xi32>], vector<16xf32>,
          %add3A_723 = arith.addf %gather3A_721, %gather3A_722 : vector<16xf32>
          %max3A_724 = arith.constant 0.000000e+00 : f32
          %max3A_725 = vector.broadcast %max3A_724 : f32 to vector<16xf32>
          %max3A_726 = arith.maximumf %add3A_723, %max3A_725 : vector<16xf32>
          %mul3A_727 = arith.mulf %max3A_726, %gather3A_600 : vector<16xf32>
          %add3A_728 = arith.addf %scan3A_573, %mul3A_727 : vector<16xf32>
          %mul3A_729 = arith.mulf %max3A_726, %gather3A_606 : vector<16xf32>
          %add3A_730 = arith.addf %scan3A_574, %mul3A_729 : vector<16xf32>
          %mul3A_731 = arith.mulf %max3A_726, %gather3A_612 : vector<16xf32>
          %add3A_732 = arith.addf %scan3A_575, %mul3A_731 : vector<16xf32>
          %add3A_733 = arith.constant 1 : i32
          %add3A_734 = vector.broadcast %add3A_733 : i32 to vector<16xi32>
          %add3A_735 = arith.addi %scan3A_585, %add3A_734 : vector<16xi32>
          %add3A_736 = arith.constant 1 : i32
          %add3A_737 = vector.broadcast %add3A_736 : i32 to vector<16xi32>
          %add3A_738 = arith.addi %scan3A_593, %add3A_737 : vector<16xi32>
          %gather3A_739 = tpu.vector_load_idx %arg7[%scan3A_586] : memref<102400xf32, #tpu.memory_space<vmem>>[vector<16xi32>], vector<16xf32>,
          %gather3A_740 = tpu.vector_load_idx %arg7[%scan3A_594] : memref<102400xf32, #tpu.memory_space<vmem>>[vector<16xi32>], vector<16xf32>,
          %add3A_741 = arith.addf %gather3A_739, %gather3A_740 : vector<16xf32>
          %max3A_742 = arith.constant 0.000000e+00 : f32
          %max3A_743 = vector.broadcast %max3A_742 : f32 to vector<16xf32>
          %max3A_744 = arith.maximumf %add3A_741, %max3A_743 : vector<16xf32>
          %mul3A_745 = arith.mulf %max3A_744, %gather3A_600 : vector<16xf32>
          %add3A_746 = arith.addf %scan3A_576, %mul3A_745 : vector<16xf32>
          %mul3A_747 = arith.mulf %max3A_744, %gather3A_606 : vector<16xf32>
          %add3A_748 = arith.addf %scan3A_577, %mul3A_747 : vector<16xf32>
          %mul3A_749 = arith.mulf %max3A_744, %gather3A_612 : vector<16xf32>
          %add3A_750 = arith.addf %scan3A_578, %mul3A_749 : vector<16xf32>
          %add3A_751 = arith.constant 1 : i32
          %add3A_752 = vector.broadcast %add3A_751 : i32 to vector<16xi32>
          %add3A_753 = arith.addi %scan3A_586, %add3A_752 : vector<16xi32>
          %add3A_754 = arith.constant 1 : i32
          %add3A_755 = vector.broadcast %add3A_754 : i32 to vector<16xi32>
          %add3A_756 = arith.addi %scan3A_594, %add3A_755 : vector<16xi32>
          scf.yield %add3A_620, %add3A_622, %add3A_624, %add3A_638, %add3A_640, %add3A_642, %add3A_656, %add3A_658, %add3A_660, %add3A_674, %add3A_676, %add3A_678, %add3A_692, %add3A_694, %add3A_696, %add3A_710, %add3A_712, %add3A_714, %add3A_728, %add3A_730, %add3A_732, %add3A_746, %add3A_748, %add3A_750, %add3A_627, %add3A_645, %add3A_663, %add3A_681, %add3A_699, %add3A_717, %add3A_735, %add3A_753, %add3A_630, %add3A_648, %add3A_666, %add3A_684, %add3A_702, %add3A_720, %add3A_738, %add3A_756 : vector<16xf32>, vector<16xf32>, vector<16xf32>, vector<16xf32>, vector<16xf32>, vector<16xf32>, vector<16xf32>, vector<16xf32>, vector<16xf32>, vector<16xf32>, vector<16xf32>, vector<16xf32>, vector<16xf32>, vector<16xf32>, vector<16xf32>, vector<16xf32>, vector<16xf32>, vector<16xf32>, vector<16xf32>, vector<16xf32>, vector<16xf32>, vector<16xf32>, vector<16xf32>, vector<16xf32>, vector<16xi32>, vector<16xi32>, vector<16xi32>, vector<16xi32>, vector<16xi32>, vector<16xi32>, vector<16xi32>, vector<16xi32>, vector<16xi32>, vector<16xi32>, vector<16xi32>, vector<16xi32>, vector<16xi32>, vector<16xi32>, vector<16xi32>, vector<16xi32>
        }
        %scan3A_331 = arith.constant 100 : i32
        %add3A_332 = arith.constant 0 : i32
        %add3A_333 = arith.addi %mul3A_72, %add3A_332 : i32
        %add3A_334 = arith.addf %scan3A_330#0, %gather3A : vector<16xf32>
        %add3A_335 = arith.addf %scan3A_330#1, %gather3A_38 : vector<16xf32>
        %add3A_336 = arith.addf %scan3A_330#2, %gather3A_42 : vector<16xf32>
        %gt3A = arith.constant 0.000000e+00 : f32
        %gt3A_337 = vector.broadcast %gt3A : f32 to vector<16xf32>
        %gt3A_338 = arith.cmpf ogt, %convert_element_type3A, %gt3A_337 : vector<16xf32>
        %max3A = arith.maximumf %add3A_335, %add3A_336 : vector<16xf32>
        %jit3A_339 = arith.constant -1.000000e+30 : f32
        %broadcast_in_dim3A_340 = vector.broadcast %jit3A_339 : f32 to vector<16xf32>
        %select_n3A_341 = arith.select %gt3A_338, %max3A, %broadcast_in_dim3A_340 : vector<16xi1>, vector<16xf32>
        %mul3A_342 = arith.constant 4 : i32
        %mul3A_343 = arith.muli %add3A_333, %mul3A_342 : i32
        %add3A_344 = vector.broadcast %mul3A_343 : i32 to vector<16xi32>
        %add3A_345 = arith.addi %mul3A_45, %add3A_344 : vector<16xi32>
        tpu.vector_store_idx %arg9[%add3A_345], %add3A_334 : memref<8192xf32, #tpu.memory_space<vmem>>[vector<16xi32>], vector<16xf32>,
        %add3A_346 = arith.constant 1 : i32
        %add3A_347 = vector.broadcast %add3A_346 : i32 to vector<16xi32>
        %add3A_348 = arith.addi %add3A_345, %add3A_347 : vector<16xi32>
        tpu.vector_store_idx %arg9[%add3A_348], %add3A_335 : memref<8192xf32, #tpu.memory_space<vmem>>[vector<16xi32>], vector<16xf32>,
        %add3A_349 = arith.constant 2 : i32
        %add3A_350 = vector.broadcast %add3A_349 : i32 to vector<16xi32>
        %add3A_351 = arith.addi %add3A_345, %add3A_350 : vector<16xi32>
        tpu.vector_store_idx %arg9[%add3A_351], %add3A_336 : memref<8192xf32, #tpu.memory_space<vmem>>[vector<16xi32>], vector<16xf32>,
        %add3A_352 = arith.constant 3 : i32
        %add3A_353 = vector.broadcast %add3A_352 : i32 to vector<16xi32>
        %add3A_354 = arith.addi %add3A_345, %add3A_353 : vector<16xi32>
        tpu.vector_store_idx %arg9[%add3A_354], %select_n3A_341 : memref<8192xf32, #tpu.memory_space<vmem>>[vector<16xi32>], vector<16xf32>,
        %convert_element_type3A_355 = arith.sitofp %and3A_132 : vector<16xi32> to vector<16xf32>
        %mul3A_356 = arith.mulf %convert_element_type3A, %convert_element_type3A_355 : vector<16xf32>
        %max3A_357 = arith.maximumf %scan3A_70, %mul3A_356 : vector<16xf32>
        %add3A_358 = arith.constant 16 : i32
        %add3A_359 = arith.addi %mul3A_72, %add3A_358 : i32
        %add3A_360 = arith.addf %scan3A_330#3, %gather3A : vector<16xf32>
        %add3A_361 = arith.addf %scan3A_330#4, %gather3A_38 : vector<16xf32>
        %add3A_362 = arith.addf %scan3A_330#5, %gather3A_42 : vector<16xf32>
        %gt3A_363 = arith.constant 0.000000e+00 : f32
        %gt3A_364 = vector.broadcast %gt3A_363 : f32 to vector<16xf32>
        %gt3A_365 = arith.cmpf ogt, %convert_element_type3A_181, %gt3A_364 : vector<16xf32>
        %max3A_366 = arith.maximumf %add3A_361, %add3A_362 : vector<16xf32>
        %jit3A_367 = arith.constant -1.000000e+30 : f32
        %broadcast_in_dim3A_368 = vector.broadcast %jit3A_367 : f32 to vector<16xf32>
        %select_n3A_369 = arith.select %gt3A_365, %max3A_366, %broadcast_in_dim3A_368 : vector<16xi1>, vector<16xf32>
        %mul3A_370 = arith.constant 4 : i32
        %mul3A_371 = arith.muli %add3A_359, %mul3A_370 : i32
        %add3A_372 = vector.broadcast %mul3A_371 : i32 to vector<16xi32>
        %add3A_373 = arith.addi %mul3A_45, %add3A_372 : vector<16xi32>
        tpu.vector_store_idx %arg9[%add3A_373], %add3A_360 : memref<8192xf32, #tpu.memory_space<vmem>>[vector<16xi32>], vector<16xf32>,
        %add3A_374 = arith.constant 1 : i32
        %add3A_375 = vector.broadcast %add3A_374 : i32 to vector<16xi32>
        %add3A_376 = arith.addi %add3A_373, %add3A_375 : vector<16xi32>
        tpu.vector_store_idx %arg9[%add3A_376], %add3A_361 : memref<8192xf32, #tpu.memory_space<vmem>>[vector<16xi32>], vector<16xf32>,
        %add3A_377 = arith.constant 2 : i32
        %add3A_378 = vector.broadcast %add3A_377 : i32 to vector<16xi32>
        %add3A_379 = arith.addi %add3A_373, %add3A_378 : vector<16xi32>
        tpu.vector_store_idx %arg9[%add3A_379], %add3A_362 : memref<8192xf32, #tpu.memory_space<vmem>>[vector<16xi32>], vector<16xf32>,
        %add3A_380 = arith.constant 3 : i32
        %add3A_381 = vector.broadcast %add3A_380 : i32 to vector<16xi32>
        %add3A_382 = arith.addi %add3A_373, %add3A_381 : vector<16xi32>
        tpu.vector_store_idx %arg9[%add3A_382], %select_n3A_369 : memref<8192xf32, #tpu.memory_space<vmem>>[vector<16xi32>], vector<16xf32>,
        %convert_element_type3A_383 = arith.sitofp %and3A_138 : vector<16xi32> to vector<16xf32>
        %mul3A_384 = arith.mulf %convert_element_type3A_181, %convert_element_type3A_383 : vector<16xf32>
        %max3A_385 = arith.maximumf %max3A_357, %mul3A_384 : vector<16xf32>
        %add3A_386 = arith.constant 32 : i32
        %add3A_387 = arith.addi %mul3A_72, %add3A_386 : i32
        %add3A_388 = arith.addf %scan3A_330#6, %gather3A : vector<16xf32>
        %add3A_389 = arith.addf %scan3A_330#7, %gather3A_38 : vector<16xf32>
        %add3A_390 = arith.addf %scan3A_330#8, %gather3A_42 : vector<16xf32>
        %gt3A_391 = arith.constant 0.000000e+00 : f32
        %gt3A_392 = vector.broadcast %gt3A_391 : f32 to vector<16xf32>
        %gt3A_393 = arith.cmpf ogt, %convert_element_type3A_185, %gt3A_392 : vector<16xf32>
        %max3A_394 = arith.maximumf %add3A_389, %add3A_390 : vector<16xf32>
        %jit3A_395 = arith.constant -1.000000e+30 : f32
        %broadcast_in_dim3A_396 = vector.broadcast %jit3A_395 : f32 to vector<16xf32>
        %select_n3A_397 = arith.select %gt3A_393, %max3A_394, %broadcast_in_dim3A_396 : vector<16xi1>, vector<16xf32>
        %mul3A_398 = arith.constant 4 : i32
        %mul3A_399 = arith.muli %add3A_387, %mul3A_398 : i32
        %add3A_400 = vector.broadcast %mul3A_399 : i32 to vector<16xi32>
        %add3A_401 = arith.addi %mul3A_45, %add3A_400 : vector<16xi32>
        tpu.vector_store_idx %arg9[%add3A_401], %add3A_388 : memref<8192xf32, #tpu.memory_space<vmem>>[vector<16xi32>], vector<16xf32>,
        %add3A_402 = arith.constant 1 : i32
        %add3A_403 = vector.broadcast %add3A_402 : i32 to vector<16xi32>
        %add3A_404 = arith.addi %add3A_401, %add3A_403 : vector<16xi32>
        tpu.vector_store_idx %arg9[%add3A_404], %add3A_389 : memref<8192xf32, #tpu.memory_space<vmem>>[vector<16xi32>], vector<16xf32>,
        %add3A_405 = arith.constant 2 : i32
        %add3A_406 = vector.broadcast %add3A_405 : i32 to vector<16xi32>
        %add3A_407 = arith.addi %add3A_401, %add3A_406 : vector<16xi32>
        tpu.vector_store_idx %arg9[%add3A_407], %add3A_390 : memref<8192xf32, #tpu.memory_space<vmem>>[vector<16xi32>], vector<16xf32>,
        %add3A_408 = arith.constant 3 : i32
        %add3A_409 = vector.broadcast %add3A_408 : i32 to vector<16xi32>
        %add3A_410 = arith.addi %add3A_401, %add3A_409 : vector<16xi32>
        tpu.vector_store_idx %arg9[%add3A_410], %select_n3A_397 : memref<8192xf32, #tpu.memory_space<vmem>>[vector<16xi32>], vector<16xf32>,
        %convert_element_type3A_411 = arith.sitofp %and3A_144 : vector<16xi32> to vector<16xf32>
        %mul3A_412 = arith.mulf %convert_element_type3A_185, %convert_element_type3A_411 : vector<16xf32>
        %max3A_413 = arith.maximumf %max3A_385, %mul3A_412 : vector<16xf32>
        %add3A_414 = arith.constant 48 : i32
        %add3A_415 = arith.addi %mul3A_72, %add3A_414 : i32
        %add3A_416 = arith.addf %scan3A_330#9, %gather3A : vector<16xf32>
        %add3A_417 = arith.addf %scan3A_330#10, %gather3A_38 : vector<16xf32>
        %add3A_418 = arith.addf %scan3A_330#11, %gather3A_42 : vector<16xf32>
        %gt3A_419 = arith.constant 0.000000e+00 : f32
        %gt3A_420 = vector.broadcast %gt3A_419 : f32 to vector<16xf32>
        %gt3A_421 = arith.cmpf ogt, %convert_element_type3A_189, %gt3A_420 : vector<16xf32>
        %max3A_422 = arith.maximumf %add3A_417, %add3A_418 : vector<16xf32>
        %jit3A_423 = arith.constant -1.000000e+30 : f32
        %broadcast_in_dim3A_424 = vector.broadcast %jit3A_423 : f32 to vector<16xf32>
        %select_n3A_425 = arith.select %gt3A_421, %max3A_422, %broadcast_in_dim3A_424 : vector<16xi1>, vector<16xf32>
        %mul3A_426 = arith.constant 4 : i32
        %mul3A_427 = arith.muli %add3A_415, %mul3A_426 : i32
        %add3A_428 = vector.broadcast %mul3A_427 : i32 to vector<16xi32>
        %add3A_429 = arith.addi %mul3A_45, %add3A_428 : vector<16xi32>
        tpu.vector_store_idx %arg9[%add3A_429], %add3A_416 : memref<8192xf32, #tpu.memory_space<vmem>>[vector<16xi32>], vector<16xf32>,
        %add3A_430 = arith.constant 1 : i32
        %add3A_431 = vector.broadcast %add3A_430 : i32 to vector<16xi32>
        %add3A_432 = arith.addi %add3A_429, %add3A_431 : vector<16xi32>
        tpu.vector_store_idx %arg9[%add3A_432], %add3A_417 : memref<8192xf32, #tpu.memory_space<vmem>>[vector<16xi32>], vector<16xf32>,
        %add3A_433 = arith.constant 2 : i32
        %add3A_434 = vector.broadcast %add3A_433 : i32 to vector<16xi32>
        %add3A_435 = arith.addi %add3A_429, %add3A_434 : vector<16xi32>
        tpu.vector_store_idx %arg9[%add3A_435], %add3A_418 : memref<8192xf32, #tpu.memory_space<vmem>>[vector<16xi32>], vector<16xf32>,
        %add3A_436 = arith.constant 3 : i32
        %add3A_437 = vector.broadcast %add3A_436 : i32 to vector<16xi32>
        %add3A_438 = arith.addi %add3A_429, %add3A_437 : vector<16xi32>
        tpu.vector_store_idx %arg9[%add3A_438], %select_n3A_425 : memref<8192xf32, #tpu.memory_space<vmem>>[vector<16xi32>], vector<16xf32>,
        %convert_element_type3A_439 = arith.sitofp %and3A_150 : vector<16xi32> to vector<16xf32>
        %mul3A_440 = arith.mulf %convert_element_type3A_189, %convert_element_type3A_439 : vector<16xf32>
        %max3A_441 = arith.maximumf %max3A_413, %mul3A_440 : vector<16xf32>
        %add3A_442 = arith.constant 64 : i32
        %add3A_443 = arith.addi %mul3A_72, %add3A_442 : i32
        %add3A_444 = arith.addf %scan3A_330#12, %gather3A : vector<16xf32>
        %add3A_445 = arith.addf %scan3A_330#13, %gather3A_38 : vector<16xf32>
        %add3A_446 = arith.addf %scan3A_330#14, %gather3A_42 : vector<16xf32>
        %gt3A_447 = arith.constant 0.000000e+00 : f32
        %gt3A_448 = vector.broadcast %gt3A_447 : f32 to vector<16xf32>
        %gt3A_449 = arith.cmpf ogt, %convert_element_type3A_193, %gt3A_448 : vector<16xf32>
        %max3A_450 = arith.maximumf %add3A_445, %add3A_446 : vector<16xf32>
        %jit3A_451 = arith.constant -1.000000e+30 : f32
        %broadcast_in_dim3A_452 = vector.broadcast %jit3A_451 : f32 to vector<16xf32>
        %select_n3A_453 = arith.select %gt3A_449, %max3A_450, %broadcast_in_dim3A_452 : vector<16xi1>, vector<16xf32>
        %mul3A_454 = arith.constant 4 : i32
        %mul3A_455 = arith.muli %add3A_443, %mul3A_454 : i32
        %add3A_456 = vector.broadcast %mul3A_455 : i32 to vector<16xi32>
        %add3A_457 = arith.addi %mul3A_45, %add3A_456 : vector<16xi32>
        tpu.vector_store_idx %arg9[%add3A_457], %add3A_444 : memref<8192xf32, #tpu.memory_space<vmem>>[vector<16xi32>], vector<16xf32>,
        %add3A_458 = arith.constant 1 : i32
        %add3A_459 = vector.broadcast %add3A_458 : i32 to vector<16xi32>
        %add3A_460 = arith.addi %add3A_457, %add3A_459 : vector<16xi32>
        tpu.vector_store_idx %arg9[%add3A_460], %add3A_445 : memref<8192xf32, #tpu.memory_space<vmem>>[vector<16xi32>], vector<16xf32>,
        %add3A_461 = arith.constant 2 : i32
        %add3A_462 = vector.broadcast %add3A_461 : i32 to vector<16xi32>
        %add3A_463 = arith.addi %add3A_457, %add3A_462 : vector<16xi32>
        tpu.vector_store_idx %arg9[%add3A_463], %add3A_446 : memref<8192xf32, #tpu.memory_space<vmem>>[vector<16xi32>], vector<16xf32>,
        %add3A_464 = arith.constant 3 : i32
        %add3A_465 = vector.broadcast %add3A_464 : i32 to vector<16xi32>
        %add3A_466 = arith.addi %add3A_457, %add3A_465 : vector<16xi32>
        tpu.vector_store_idx %arg9[%add3A_466], %select_n3A_453 : memref<8192xf32, #tpu.memory_space<vmem>>[vector<16xi32>], vector<16xf32>,
        %convert_element_type3A_467 = arith.sitofp %and3A_156 : vector<16xi32> to vector<16xf32>
        %mul3A_468 = arith.mulf %convert_element_type3A_193, %convert_element_type3A_467 : vector<16xf32>
        %max3A_469 = arith.maximumf %max3A_441, %mul3A_468 : vector<16xf32>
        %add3A_470 = arith.constant 80 : i32
        %add3A_471 = arith.addi %mul3A_72, %add3A_470 : i32
        %add3A_472 = arith.addf %scan3A_330#15, %gather3A : vector<16xf32>
        %add3A_473 = arith.addf %scan3A_330#16, %gather3A_38 : vector<16xf32>
        %add3A_474 = arith.addf %scan3A_330#17, %gather3A_42 : vector<16xf32>
        %gt3A_475 = arith.constant 0.000000e+00 : f32
        %gt3A_476 = vector.broadcast %gt3A_475 : f32 to vector<16xf32>
        %gt3A_477 = arith.cmpf ogt, %convert_element_type3A_197, %gt3A_476 : vector<16xf32>
        %max3A_478 = arith.maximumf %add3A_473, %add3A_474 : vector<16xf32>
        %jit3A_479 = arith.constant -1.000000e+30 : f32
        %broadcast_in_dim3A_480 = vector.broadcast %jit3A_479 : f32 to vector<16xf32>
        %select_n3A_481 = arith.select %gt3A_477, %max3A_478, %broadcast_in_dim3A_480 : vector<16xi1>, vector<16xf32>
        %mul3A_482 = arith.constant 4 : i32
        %mul3A_483 = arith.muli %add3A_471, %mul3A_482 : i32
        %add3A_484 = vector.broadcast %mul3A_483 : i32 to vector<16xi32>
        %add3A_485 = arith.addi %mul3A_45, %add3A_484 : vector<16xi32>
        tpu.vector_store_idx %arg9[%add3A_485], %add3A_472 : memref<8192xf32, #tpu.memory_space<vmem>>[vector<16xi32>], vector<16xf32>,
        %add3A_486 = arith.constant 1 : i32
        %add3A_487 = vector.broadcast %add3A_486 : i32 to vector<16xi32>
        %add3A_488 = arith.addi %add3A_485, %add3A_487 : vector<16xi32>
        tpu.vector_store_idx %arg9[%add3A_488], %add3A_473 : memref<8192xf32, #tpu.memory_space<vmem>>[vector<16xi32>], vector<16xf32>,
        %add3A_489 = arith.constant 2 : i32
        %add3A_490 = vector.broadcast %add3A_489 : i32 to vector<16xi32>
        %add3A_491 = arith.addi %add3A_485, %add3A_490 : vector<16xi32>
        tpu.vector_store_idx %arg9[%add3A_491], %add3A_474 : memref<8192xf32, #tpu.memory_space<vmem>>[vector<16xi32>], vector<16xf32>,
        %add3A_492 = arith.constant 3 : i32
        %add3A_493 = vector.broadcast %add3A_492 : i32 to vector<16xi32>
        %add3A_494 = arith.addi %add3A_485, %add3A_493 : vector<16xi32>
        tpu.vector_store_idx %arg9[%add3A_494], %select_n3A_481 : memref<8192xf32, #tpu.memory_space<vmem>>[vector<16xi32>], vector<16xf32>,
        %convert_element_type3A_495 = arith.sitofp %and3A_162 : vector<16xi32> to vector<16xf32>
        %mul3A_496 = arith.mulf %convert_element_type3A_197, %convert_element_type3A_495 : vector<16xf32>
        %max3A_497 = arith.maximumf %max3A_469, %mul3A_496 : vector<16xf32>
        %add3A_498 = arith.constant 96 : i32
        %add3A_499 = arith.addi %mul3A_72, %add3A_498 : i32
        %add3A_500 = arith.addf %scan3A_330#18, %gather3A : vector<16xf32>
        %add3A_501 = arith.addf %scan3A_330#19, %gather3A_38 : vector<16xf32>
        %add3A_502 = arith.addf %scan3A_330#20, %gather3A_42 : vector<16xf32>
        %gt3A_503 = arith.constant 0.000000e+00 : f32
        %gt3A_504 = vector.broadcast %gt3A_503 : f32 to vector<16xf32>
        %gt3A_505 = arith.cmpf ogt, %convert_element_type3A_201, %gt3A_504 : vector<16xf32>
        %max3A_506 = arith.maximumf %add3A_501, %add3A_502 : vector<16xf32>
        %jit3A_507 = arith.constant -1.000000e+30 : f32
        %broadcast_in_dim3A_508 = vector.broadcast %jit3A_507 : f32 to vector<16xf32>
        %select_n3A_509 = arith.select %gt3A_505, %max3A_506, %broadcast_in_dim3A_508 : vector<16xi1>, vector<16xf32>
        %mul3A_510 = arith.constant 4 : i32
        %mul3A_511 = arith.muli %add3A_499, %mul3A_510 : i32
        %add3A_512 = vector.broadcast %mul3A_511 : i32 to vector<16xi32>
        %add3A_513 = arith.addi %mul3A_45, %add3A_512 : vector<16xi32>
        tpu.vector_store_idx %arg9[%add3A_513], %add3A_500 : memref<8192xf32, #tpu.memory_space<vmem>>[vector<16xi32>], vector<16xf32>,
        %add3A_514 = arith.constant 1 : i32
        %add3A_515 = vector.broadcast %add3A_514 : i32 to vector<16xi32>
        %add3A_516 = arith.addi %add3A_513, %add3A_515 : vector<16xi32>
        tpu.vector_store_idx %arg9[%add3A_516], %add3A_501 : memref<8192xf32, #tpu.memory_space<vmem>>[vector<16xi32>], vector<16xf32>,
        %add3A_517 = arith.constant 2 : i32
        %add3A_518 = vector.broadcast %add3A_517 : i32 to vector<16xi32>
        %add3A_519 = arith.addi %add3A_513, %add3A_518 : vector<16xi32>
        tpu.vector_store_idx %arg9[%add3A_519], %add3A_502 : memref<8192xf32, #tpu.memory_space<vmem>>[vector<16xi32>], vector<16xf32>,
        %add3A_520 = arith.constant 3 : i32
        %add3A_521 = vector.broadcast %add3A_520 : i32 to vector<16xi32>
        %add3A_522 = arith.addi %add3A_513, %add3A_521 : vector<16xi32>
        tpu.vector_store_idx %arg9[%add3A_522], %select_n3A_509 : memref<8192xf32, #tpu.memory_space<vmem>>[vector<16xi32>], vector<16xf32>,
        %convert_element_type3A_523 = arith.sitofp %and3A_168 : vector<16xi32> to vector<16xf32>
        %mul3A_524 = arith.mulf %convert_element_type3A_201, %convert_element_type3A_523 : vector<16xf32>
        %max3A_525 = arith.maximumf %max3A_497, %mul3A_524 : vector<16xf32>
        %add3A_526 = arith.constant 112 : i32
        %add3A_527 = arith.addi %mul3A_72, %add3A_526 : i32
        %add3A_528 = arith.addf %scan3A_330#21, %gather3A : vector<16xf32>
        %add3A_529 = arith.addf %scan3A_330#22, %gather3A_38 : vector<16xf32>
        %add3A_530 = arith.addf %scan3A_330#23, %gather3A_42 : vector<16xf32>
        %gt3A_531 = arith.constant 0.000000e+00 : f32
        %gt3A_532 = vector.broadcast %gt3A_531 : f32 to vector<16xf32>
        %gt3A_533 = arith.cmpf ogt, %convert_element_type3A_205, %gt3A_532 : vector<16xf32>
        %max3A_534 = arith.maximumf %add3A_529, %add3A_530 : vector<16xf32>
        %jit3A_535 = arith.constant -1.000000e+30 : f32
        %broadcast_in_dim3A_536 = vector.broadcast %jit3A_535 : f32 to vector<16xf32>
        %select_n3A_537 = arith.select %gt3A_533, %max3A_534, %broadcast_in_dim3A_536 : vector<16xi1>, vector<16xf32>
        %mul3A_538 = arith.constant 4 : i32
        %mul3A_539 = arith.muli %add3A_527, %mul3A_538 : i32
        %add3A_540 = vector.broadcast %mul3A_539 : i32 to vector<16xi32>
        %add3A_541 = arith.addi %mul3A_45, %add3A_540 : vector<16xi32>
        tpu.vector_store_idx %arg9[%add3A_541], %add3A_528 : memref<8192xf32, #tpu.memory_space<vmem>>[vector<16xi32>], vector<16xf32>,
        %add3A_542 = arith.constant 1 : i32
        %add3A_543 = vector.broadcast %add3A_542 : i32 to vector<16xi32>
        %add3A_544 = arith.addi %add3A_541, %add3A_543 : vector<16xi32>
        tpu.vector_store_idx %arg9[%add3A_544], %add3A_529 : memref<8192xf32, #tpu.memory_space<vmem>>[vector<16xi32>], vector<16xf32>,
        %add3A_545 = arith.constant 2 : i32
        %add3A_546 = vector.broadcast %add3A_545 : i32 to vector<16xi32>
        %add3A_547 = arith.addi %add3A_541, %add3A_546 : vector<16xi32>
        tpu.vector_store_idx %arg9[%add3A_547], %add3A_530 : memref<8192xf32, #tpu.memory_space<vmem>>[vector<16xi32>], vector<16xf32>,
        %add3A_548 = arith.constant 3 : i32
        %add3A_549 = vector.broadcast %add3A_548 : i32 to vector<16xi32>
        %add3A_550 = arith.addi %add3A_541, %add3A_549 : vector<16xi32>
        tpu.vector_store_idx %arg9[%add3A_550], %select_n3A_537 : memref<8192xf32, #tpu.memory_space<vmem>>[vector<16xi32>], vector<16xf32>,
        %convert_element_type3A_551 = arith.sitofp %and3A_174 : vector<16xi32> to vector<16xf32>
        %mul3A_552 = arith.mulf %convert_element_type3A_205, %convert_element_type3A_551 : vector<16xf32>
        %max3A_553 = arith.maximumf %max3A_525, %mul3A_552 : vector<16xf32>
        scf.yield %max3A_553 : vector<16xf32>
      }
      %scan3A_66 = arith.constant 16 : i32
      %mul3A_67 = arith.constant 4 : i32
      %mul3A_68 = arith.muli %add3A_60, %mul3A_67 : i32
      "tpu.region"() ({
        %run_scoped3A = tpu.sem_alloc : memref<!tpu.dma_semaphore, #tpu.memory_space<semaphore_mem>>
        %dma_start3A = tpu.memref_slice %arg5[%select_n3A, %mul3A_68] : memref<16x65536xf32, #tpu.memory_space<hbm>> -> memref<1x8192xf32, #tpu.memory_space<hbm>>
        %dma_start3A_69 = tpu.memref_squeeze %dma_start3A : memref<1x8192xf32, #tpu.memory_space<hbm>> -> memref<8192xf32, #tpu.memory_space<hbm>>
        %dma_start3A_70 = tpu.memref_slice %arg5[%select_n3A, %mul3A_68] : memref<16x65536xf32, #tpu.memory_space<hbm>> -> memref<1x8192xf32, #tpu.memory_space<hbm>>
        %dma_start3A_71 = tpu.memref_squeeze %dma_start3A_70 : memref<1x8192xf32, #tpu.memory_space<hbm>> -> memref<8192xf32, #tpu.memory_space<hbm>>
        tpu.enqueue_dma source(%arg9 : memref<8192xf32, #tpu.memory_space<vmem>>) target(%dma_start3A_71 : memref<8192xf32, #tpu.memory_space<hbm>>) target_semaphore(%run_scoped3A : memref<!tpu.dma_semaphore, #tpu.memory_space<semaphore_mem>>)
        %dma_wait3A = tpu.memref_slice %arg5[%select_n3A, %mul3A_68] : memref<16x65536xf32, #tpu.memory_space<hbm>> -> memref<1x8192xf32, #tpu.memory_space<hbm>>
        %dma_wait3A_72 = tpu.memref_squeeze %dma_wait3A : memref<1x8192xf32, #tpu.memory_space<hbm>> -> memref<8192xf32, #tpu.memory_space<hbm>>
        %dma_wait3A_73 = tpu.memref_slice %arg5[%select_n3A, %mul3A_68] : memref<16x65536xf32, #tpu.memory_space<hbm>> -> memref<1x8192xf32, #tpu.memory_space<hbm>>
        %dma_wait3A_74 = tpu.memref_squeeze %dma_wait3A_73 : memref<1x8192xf32, #tpu.memory_space<hbm>> -> memref<8192xf32, #tpu.memory_space<hbm>>
        tpu.wait_dma2 semaphore(%run_scoped3A : memref<!tpu.dma_semaphore, #tpu.memory_space<semaphore_mem>>) src(%arg9 : memref<8192xf32, #tpu.memory_space<vmem>>) dst(%dma_wait3A_74 : memref<8192xf32, #tpu.memory_space<hbm>>)
        tpu.yield
      }) : () -> ()
      scf.yield %scan3A_65 : vector<16xf32>
    }
    %scan3A_52 = arith.constant 4 : i32
    %swap3A = arith.constant 0 : index
    %swap3A_53 = tpu.vector_load %arg11[%swap3A] {strides = array<i32>} : memref<16xf32, #tpu.memory_space<vmem>>, vector<16xf32>,
    tpu.vector_store %arg11[%swap3A], %scan3A_51 {strides = array<i32>} : memref<16xf32, #tpu.memory_space<vmem>>, vector<16xf32>,
    "tpu.region"() ({
      %run_scoped3A = tpu.sem_alloc : memref<!tpu.dma_semaphore, #tpu.memory_space<semaphore_mem>>
      %dma_start3A = arith.constant 0 : i32
      %dma_start3A_54 = tpu.memref_slice %arg6[%select_n3A, %select_n3A_30, %dma_start3A] : memref<16x2x16xf32, #tpu.memory_space<hbm>> -> memref<1x1x16xf32, #tpu.memory_space<hbm>>
      %dma_start3A_55 = tpu.memref_squeeze %dma_start3A_54 : memref<1x1x16xf32, #tpu.memory_space<hbm>> -> memref<16xf32, #tpu.memory_space<hbm>>
      %dma_start3A_56 = arith.constant 0 : i32
      %dma_start3A_57 = tpu.memref_slice %arg6[%select_n3A, %select_n3A_30, %dma_start3A_56] : memref<16x2x16xf32, #tpu.memory_space<hbm>> -> memref<1x1x16xf32, #tpu.memory_space<hbm>>
      %dma_start3A_58 = tpu.memref_squeeze %dma_start3A_57 : memref<1x1x16xf32, #tpu.memory_space<hbm>> -> memref<16xf32, #tpu.memory_space<hbm>>
      tpu.enqueue_dma source(%arg11 : memref<16xf32, #tpu.memory_space<vmem>>) target(%dma_start3A_58 : memref<16xf32, #tpu.memory_space<hbm>>) target_semaphore(%run_scoped3A : memref<!tpu.dma_semaphore, #tpu.memory_space<semaphore_mem>>)
      %dma_wait3A = arith.constant 0 : i32
      %dma_wait3A_59 = tpu.memref_slice %arg6[%select_n3A, %select_n3A_30, %dma_wait3A] : memref<16x2x16xf32, #tpu.memory_space<hbm>> -> memref<1x1x16xf32, #tpu.memory_space<hbm>>
      %dma_wait3A_60 = tpu.memref_squeeze %dma_wait3A_59 : memref<1x1x16xf32, #tpu.memory_space<hbm>> -> memref<16xf32, #tpu.memory_space<hbm>>
      %dma_wait3A_61 = arith.constant 0 : i32
      %dma_wait3A_62 = tpu.memref_slice %arg6[%select_n3A, %select_n3A_30, %dma_wait3A_61] : memref<16x2x16xf32, #tpu.memory_space<hbm>> -> memref<1x1x16xf32, #tpu.memory_space<hbm>>
      %dma_wait3A_63 = tpu.memref_squeeze %dma_wait3A_62 : memref<1x1x16xf32, #tpu.memory_space<hbm>> -> memref<16xf32, #tpu.memory_space<hbm>>
      tpu.wait_dma2 semaphore(%run_scoped3A : memref<!tpu.dma_semaphore, #tpu.memory_space<semaphore_mem>>) src(%arg11 : memref<16xf32, #tpu.memory_space<vmem>>) dst(%dma_wait3A_63 : memref<16xf32, #tpu.memory_space<hbm>>)
      tpu.yield
    }) : () -> ()
    return
  }
}

module attributes {stable_mosaic.version = 14 : i64} {
  func.func @_k1_body(%arg0: i32, %arg1: memref<1x512x512xf32, #tpu.memory_space<vmem>>, %arg2: memref<512x64xf32, #tpu.memory_space<vmem>>, %arg3: memref<1x64xf32, #tpu.memory_space<vmem>>, %arg4: memref<64x200xf32, #tpu.memory_space<vmem>>, %arg5: memref<1x200xf32, #tpu.memory_space<vmem>>, %arg6: memref<64x400xf32, #tpu.memory_space<vmem>>, %arg7: memref<1x400xf32, #tpu.memory_space<vmem>>, %arg8: memref<1x512x200xf32, #tpu.memory_space<vmem>>, %arg9: memref<1x512x400xf32, #tpu.memory_space<vmem>>, %arg10: memref<1x512x64xf32, #tpu.memory_space<vmem>>) attributes {dimension_semantics = [#tpu.dimension_semantics<arbitrary>], iteration_bounds = array<i64: 16>, scalar_prefetch = 0 : i64, scratch_operands = 0 : i64, tpu.core_type = #tpu.core_type<tc>, window_params = [{transform_indices = @transform_0, window_bounds = array<i64: 1, 512, 512>}, {pipeline_mode = #tpu.pipeline_mode<synchronous>, transform_indices = @transform_1, window_bounds = array<i64: 512, 64>}, {pipeline_mode = #tpu.pipeline_mode<synchronous>, transform_indices = @transform_2, window_bounds = array<i64: 1, 64>}, {pipeline_mode = #tpu.pipeline_mode<synchronous>, transform_indices = @transform_3, window_bounds = array<i64: 64, 200>}, {pipeline_mode = #tpu.pipeline_mode<synchronous>, transform_indices = @transform_4, window_bounds = array<i64: 1, 200>}, {pipeline_mode = #tpu.pipeline_mode<synchronous>, transform_indices = @transform_5, window_bounds = array<i64: 64, 400>}, {pipeline_mode = #tpu.pipeline_mode<synchronous>, transform_indices = @transform_6, window_bounds = array<i64: 1, 400>}, {transform_indices = @transform_7, window_bounds = array<i64: 1, 512, 200>}, {transform_indices = @transform_8, window_bounds = array<i64: 1, 512, 400>}, {transform_indices = @transform_9, window_bounds = array<i64: 1, 512, 64>}]} {
    %get3A = arith.constant 0 : index
    %get3A_0 = arith.constant 0 : index
    %get3A_1 = arith.constant 0 : index
    %get3A_2 = vector.load %arg1[%get3A, %get3A_0, %get3A_1] : memref<1x512x512xf32, #tpu.memory_space<vmem>>, vector<1x512x512xf32>
    %get3A_3 = vector.shape_cast %get3A_2 : vector<1x512x512xf32> to vector<512x512xf32>
    %get3A_4 = arith.constant 0 : index
    %get3A_5 = arith.constant 0 : index
    %get3A_6 = vector.load %arg2[%get3A_4, %get3A_5] : memref<512x64xf32, #tpu.memory_space<vmem>>, vector<512x64xf32>
    %dot_general3A = arith.constant dense<0.000000e+00> : vector<512x64xf32>
    %dot_general3A_7 = tpu.matmul %get3A_3, %get3A_6, %dot_general3A {dimension_numbers = #tpu.dot_dimension_numbers<[1], [0], [0], [1], [0, 0, 1, 1], [], []>, transpose_lhs_hint = false} : vector<512x512xf32>, vector<512x64xf32>, vector<512x64xf32> -> vector<512x64xf32>
    %get3A_8 = arith.constant 0 : index
    %get3A_9 = arith.constant 0 : index
    %get3A_10 = vector.load %arg3[%get3A_8, %get3A_9] : memref<1x64xf32, #tpu.memory_space<vmem>>, vector<1x64xf32>
    %add3A = vector.broadcast %get3A_10 : vector<1x64xf32> to vector<512x64xf32>
    %add3A_11 = arith.addf %dot_general3A_7, %add3A : vector<512x64xf32>
    %tanh3A = math.tanh %add3A_11 : vector<512x64xf32>
    %swap3A = arith.constant 0 : index
    %swap3A_12 = arith.constant 0 : index
    %swap3A_13 = arith.constant 0 : index
    %swap3A_14 = vector.load %arg10[%swap3A, %swap3A_12, %swap3A_13] : memref<1x512x64xf32, #tpu.memory_space<vmem>>, vector<1x512x64xf32>
    %swap3A_15 = vector.shape_cast %swap3A_14 : vector<1x512x64xf32> to vector<512x64xf32>
    %swap3A_16 = vector.shape_cast %tanh3A : vector<512x64xf32> to vector<1x512x64xf32>
    tpu.vector_store %arg10[%swap3A, %swap3A_12, %swap3A_13], %swap3A_16 {strides = array<i32>} : memref<1x512x64xf32, #tpu.memory_space<vmem>>, vector<1x512x64xf32>,
    %get3A_17 = arith.constant 0 : index
    %get3A_18 = arith.constant 0 : index
    %get3A_19 = vector.load %arg4[%get3A_17, %get3A_18] : memref<64x200xf32, #tpu.memory_space<vmem>>, vector<64x200xf32>
    %dot_general3A_20 = arith.constant dense<0.000000e+00> : vector<512x200xf32>
    %dot_general3A_21 = tpu.matmul %tanh3A, %get3A_19, %dot_general3A_20 {dimension_numbers = #tpu.dot_dimension_numbers<[1], [0], [0], [1], [0, 0, 1, 1], [], []>, transpose_lhs_hint = false} : vector<512x64xf32>, vector<64x200xf32>, vector<512x200xf32> -> vector<512x200xf32>
    %get3A_22 = arith.constant 0 : index
    %get3A_23 = arith.constant 0 : index
    %get3A_24 = vector.load %arg5[%get3A_22, %get3A_23] : memref<1x200xf32, #tpu.memory_space<vmem>>, vector<1x200xf32>
    %add3A_25 = vector.broadcast %get3A_24 : vector<1x200xf32> to vector<512x200xf32>
    %add3A_26 = arith.addf %dot_general3A_21, %add3A_25 : vector<512x200xf32>
    %swap3A_27 = arith.constant 0 : index
    %swap3A_28 = arith.constant 0 : index
    %swap3A_29 = arith.constant 0 : index
    %swap3A_30 = vector.load %arg8[%swap3A_27, %swap3A_28, %swap3A_29] : memref<1x512x200xf32, #tpu.memory_space<vmem>>, vector<1x512x200xf32>
    %swap3A_31 = vector.shape_cast %swap3A_30 : vector<1x512x200xf32> to vector<512x200xf32>
    %swap3A_32 = vector.shape_cast %add3A_26 : vector<512x200xf32> to vector<1x512x200xf32>
    tpu.vector_store %arg8[%swap3A_27, %swap3A_28, %swap3A_29], %swap3A_32 {strides = array<i32>} : memref<1x512x200xf32, #tpu.memory_space<vmem>>, vector<1x512x200xf32>,
    %get3A_33 = arith.constant 0 : index
    %get3A_34 = arith.constant 0 : index
    %get3A_35 = vector.load %arg6[%get3A_33, %get3A_34] : memref<64x400xf32, #tpu.memory_space<vmem>>, vector<64x400xf32>
    %dot_general3A_36 = arith.constant dense<0.000000e+00> : vector<512x400xf32>
    %dot_general3A_37 = tpu.matmul %tanh3A, %get3A_35, %dot_general3A_36 {dimension_numbers = #tpu.dot_dimension_numbers<[1], [0], [0], [1], [0, 0, 1, 1], [], []>, transpose_lhs_hint = false} : vector<512x64xf32>, vector<64x400xf32>, vector<512x400xf32> -> vector<512x400xf32>
    %get3A_38 = arith.constant 0 : index
    %get3A_39 = arith.constant 0 : index
    %get3A_40 = vector.load %arg7[%get3A_38, %get3A_39] : memref<1x400xf32, #tpu.memory_space<vmem>>, vector<1x400xf32>
    %add3A_41 = vector.broadcast %get3A_40 : vector<1x400xf32> to vector<512x400xf32>
    %add3A_42 = arith.addf %dot_general3A_37, %add3A_41 : vector<512x400xf32>
    %swap3A_43 = arith.constant 0 : index
    %swap3A_44 = arith.constant 0 : index
    %swap3A_45 = arith.constant 0 : index
    %swap3A_46 = vector.load %arg9[%swap3A_43, %swap3A_44, %swap3A_45] : memref<1x512x400xf32, #tpu.memory_space<vmem>>, vector<1x512x400xf32>
    %swap3A_47 = vector.shape_cast %swap3A_46 : vector<1x512x400xf32> to vector<512x400xf32>
    %swap3A_48 = vector.shape_cast %add3A_42 : vector<512x400xf32> to vector<1x512x400xf32>
    tpu.vector_store %arg9[%swap3A_43, %swap3A_44, %swap3A_45], %swap3A_48 {strides = array<i32>} : memref<1x512x400xf32, #tpu.memory_space<vmem>>, vector<1x512x400xf32>,
    return
  }
  func.func @transform_0(%arg0: i32) -> (i32, i32, i32) {
    %c0_i32 = arith.constant 0 : i32
    %c0_i32_0 = arith.constant 0 : i32
    %c0_i32_1 = arith.constant 0 : i32
    return %arg0, %c0_i32, %c0_i32_0 : i32, i32, i32
  }
  func.func @transform_1(%arg0: i32) -> (i32, i32) {
    %c0_i32 = arith.constant 0 : i32
    %c0_i32_0 = arith.constant 0 : i32
    %c0_i32_1 = arith.constant 0 : i32
    return %c0_i32, %c0_i32_0 : i32, i32
  }
  func.func @transform_2(%arg0: i32) -> (i32, i32) {
    %c0_i32 = arith.constant 0 : i32
    %c0_i32_0 = arith.constant 0 : i32
    %c0_i32_1 = arith.constant 0 : i32
    return %c0_i32, %c0_i32_0 : i32, i32
  }
  func.func @transform_3(%arg0: i32) -> (i32, i32) {
    %c0_i32 = arith.constant 0 : i32
    %c0_i32_0 = arith.constant 0 : i32
    %c0_i32_1 = arith.constant 0 : i32
    return %c0_i32, %c0_i32_0 : i32, i32
  }
  func.func @transform_4(%arg0: i32) -> (i32, i32) {
    %c0_i32 = arith.constant 0 : i32
    %c0_i32_0 = arith.constant 0 : i32
    %c0_i32_1 = arith.constant 0 : i32
    return %c0_i32, %c0_i32_0 : i32, i32
  }
  func.func @transform_5(%arg0: i32) -> (i32, i32) {
    %c0_i32 = arith.constant 0 : i32
    %c0_i32_0 = arith.constant 0 : i32
    %c0_i32_1 = arith.constant 0 : i32
    return %c0_i32, %c0_i32_0 : i32, i32
  }
  func.func @transform_6(%arg0: i32) -> (i32, i32) {
    %c0_i32 = arith.constant 0 : i32
    %c0_i32_0 = arith.constant 0 : i32
    %c0_i32_1 = arith.constant 0 : i32
    return %c0_i32, %c0_i32_0 : i32, i32
  }
  func.func @transform_7(%arg0: i32) -> (i32, i32, i32) {
    %c0_i32 = arith.constant 0 : i32
    %c0_i32_0 = arith.constant 0 : i32
    %c0_i32_1 = arith.constant 0 : i32
    return %arg0, %c0_i32, %c0_i32_0 : i32, i32, i32
  }
  func.func @transform_8(%arg0: i32) -> (i32, i32, i32) {
    %c0_i32 = arith.constant 0 : i32
    %c0_i32_0 = arith.constant 0 : i32
    %c0_i32_1 = arith.constant 0 : i32
    return %arg0, %c0_i32, %c0_i32_0 : i32, i32, i32
  }
  func.func @transform_9(%arg0: i32) -> (i32, i32, i32) {
    %c0_i32 = arith.constant 0 : i32
    %c0_i32_0 = arith.constant 0 : i32
    %c0_i32_1 = arith.constant 0 : i32
    return %arg0, %c0_i32, %c0_i32_0 : i32, i32, i32
  }
}

module attributes {stable_mosaic.version = 14 : i64} {
  func.func @_k3_body(%arg0: memref<16x128x128xf32, #tpu.memory_space<vmem>>, %arg1: memref<16x128x128xi32, #tpu.memory_space<vmem>>, %arg2: memref<16x80xi32, #tpu.memory_space<vmem>>, %arg3: memref<16x80xi32, #tpu.memory_space<vmem>>) attributes {dimension_semantics = [], scalar_prefetch = 0 : i64, scratch_operands = 0 : i64, tpu.core_type = #tpu.core_type<tc>} {
    %get3A = arith.constant 0 : index
    %get3A_0 = arith.constant 0 : index
    %get3A_1 = arith.constant 0 : index
    %get3A_2 = vector.load %arg0[%get3A, %get3A_0, %get3A_1] : memref<16x128x128xf32, #tpu.memory_space<vmem>>, vector<16x128x128xf32>
    %get3A_3 = arith.constant 0 : index
    %get3A_4 = arith.constant 0 : index
    %get3A_5 = arith.constant 0 : index
    %get3A_6 = vector.load %arg1[%get3A_3, %get3A_4, %get3A_5] : memref<16x128x128xi32, #tpu.memory_space<vmem>>, vector<16x128x128xi32>
    %iota3A = tpu.iota {dimensions = array<i32: 1>} : vector<16x128x128xi32>
    %mul3A = arith.constant 128 : i32
    %mul3A_7 = vector.broadcast %mul3A : i32 to vector<16x128x128xi32>
    %mul3A_8 = arith.muli %iota3A, %mul3A_7 : vector<16x128x128xi32>
    %iota3A_9 = tpu.iota {dimensions = array<i32: 2>} : vector<16x128x128xi32>
    %add3A = arith.addi %mul3A_8, %iota3A_9 : vector<16x128x128xi32>
    %iota3A_10 = tpu.iota {dimensions = array<i32: 1>} : vector<16x80xi32>
    %broadcast_in_dim3A = arith.constant 0 : i32
    %broadcast_in_dim3A_11 = vector.broadcast %broadcast_in_dim3A : i32 to vector<16x80xi32>
    %scan3A = arith.constant 2147483647 : i32
    %scan3A_12 = arith.constant 0 : i32
    %scan3A_13 = arith.constant 80 : i32
    %scan3A_14 = arith.addi %scan3A_12, %scan3A_13 : i32
    %scan3A_15 = arith.constant 1 : i32
    %scan3A_16:3 = scf.for %scan3A_23 = %scan3A_12 to %scan3A_14 step %scan3A_15 iter_args(%scan3A_24 = %get3A_2, %scan3A_25 = %broadcast_in_dim3A_11, %scan3A_26 = %broadcast_in_dim3A_11) -> (vector<16x128x128xf32>, vector<16x80xi32>, vector<16x80xi32>)  : i32 {
      %reduce_max3A = arith.constant dense<0xFF800000> : vector<16x128xf32>
      %reduce_max3A_27 = vector.multi_reduction <maximumf>, %scan3A_24, %reduce_max3A [2] : vector<16x128x128xf32> to vector<16x128xf32>
      %broadcast_in_dim3A_28 = vector.shape_cast %reduce_max3A_27 : vector<16x128xf32> to vector<16x128x1xf32>
      %reduce_max3A_29 = arith.constant dense<0xFF800000> : vector<16x1xf32>
      %reduce_max3A_30 = vector.multi_reduction <maximumf>, %broadcast_in_dim3A_28, %reduce_max3A_29 [1] : vector<16x128x1xf32> to vector<16x1xf32>
      %broadcast_in_dim3A_31 = vector.shape_cast %reduce_max3A_30 : vector<16x1xf32> to vector<16x1x1xf32>
      %eq3A = vector.broadcast %broadcast_in_dim3A_31 : vector<16x1x1xf32> to vector<16x128x128xf32>
      %eq3A_32 = arith.cmpf oeq, %scan3A_24, %eq3A : vector<16x128x128xf32>
      %broadcast_in_dim3A_33 = vector.broadcast %scan3A : i32 to vector<16x128x128xi32>
      %select_n3A = arith.select %eq3A_32, %add3A, %broadcast_in_dim3A_33 : vector<16x128x128xi1>, vector<16x128x128xi32>
      %reduce_min3A = arith.constant dense<2147483647> : vector<16x128xi32>
      %reduce_min3A_34 = vector.multi_reduction <minsi>, %select_n3A, %reduce_min3A [2] : vector<16x128x128xi32> to vector<16x128xi32>
      %broadcast_in_dim3A_35 = vector.shape_cast %reduce_min3A_34 : vector<16x128xi32> to vector<16x128x1xi32>
      %reduce_min3A_36 = arith.constant dense<2147483647> : vector<16x1xi32>
      %reduce_min3A_37 = vector.multi_reduction <minsi>, %broadcast_in_dim3A_35, %reduce_min3A_36 [1] : vector<16x128x1xi32> to vector<16x1xi32>
      %broadcast_in_dim3A_38 = vector.shape_cast %reduce_min3A_37 : vector<16x1xi32> to vector<16x1x1xi32>
      %eq3A_39 = vector.broadcast %broadcast_in_dim3A_38 : vector<16x1x1xi32> to vector<16x128x128xi32>
      %eq3A_40 = arith.cmpi eq, %add3A, %eq3A_39 : vector<16x128x128xi32>
      %jit3A = arith.constant 0 : i32
      %broadcast_in_dim3A_41 = vector.broadcast %jit3A : i32 to vector<16x128x128xi32>
      %select_n3A_42 = arith.select %eq3A_40, %get3A_6, %broadcast_in_dim3A_41 : vector<16x128x128xi1>, vector<16x128x128xi32>
      %reduce_max3A_43 = arith.constant dense<-2147483648> : vector<16x128xi32>
      %reduce_max3A_44 = vector.multi_reduction <maxsi>, %select_n3A_42, %reduce_max3A_43 [2] : vector<16x128x128xi32> to vector<16x128xi32>
      %broadcast_in_dim3A_45 = vector.shape_cast %reduce_max3A_44 : vector<16x128xi32> to vector<16x128x1xi32>
      %reduce_max3A_46 = arith.constant dense<-2147483648> : vector<16x1xi32>
      %reduce_max3A_47 = vector.multi_reduction <maxsi>, %broadcast_in_dim3A_45, %reduce_max3A_46 [1] : vector<16x128x1xi32> to vector<16x1xi32>
      %broadcast_in_dim3A_48 = vector.shape_cast %reduce_max3A_47 : vector<16x1xi32> to vector<16x1x1xi32>
      %eq3A_49 = vector.broadcast %scan3A_23 : i32 to vector<16x80xi32>
      %eq3A_50 = arith.cmpi eq, %iota3A_10, %eq3A_49 : vector<16x80xi32>
      %squeeze3A = vector.shape_cast %broadcast_in_dim3A_48 : vector<16x1x1xi32> to vector<16x1xi32>
      %broadcast_in_dim3A_51 = vector.shape_cast %squeeze3A : vector<16x1xi32> to vector<16x1xi32>
      %broadcast_in_dim3A_52 = vector.broadcast %broadcast_in_dim3A_51 : vector<16x1xi32> to vector<16x80xi32>
      %select_n3A_53 = arith.select %eq3A_50, %broadcast_in_dim3A_52, %scan3A_25 : vector<16x80xi1>, vector<16x80xi32>
      %squeeze3A_54 = vector.shape_cast %broadcast_in_dim3A_38 : vector<16x1x1xi32> to vector<16x1xi32>
      %broadcast_in_dim3A_55 = vector.shape_cast %squeeze3A_54 : vector<16x1xi32> to vector<16x1xi32>
      %broadcast_in_dim3A_56 = vector.broadcast %broadcast_in_dim3A_55 : vector<16x1xi32> to vector<16x80xi32>
      %select_n3A_57 = arith.select %eq3A_50, %broadcast_in_dim3A_56, %scan3A_26 : vector<16x80xi1>, vector<16x80xi32>
      %jit3A_58 = arith.constant -3.000000e+38 : f32
      %broadcast_in_dim3A_59 = vector.broadcast %jit3A_58 : f32 to vector<16x128x128xf32>
      %select_n3A_60 = arith.select %eq3A_40, %broadcast_in_dim3A_59, %scan3A_24 : vector<16x128x128xi1>, vector<16x128x128xf32>
      scf.yield %select_n3A_60, %select_n3A_53, %select_n3A_57 : vector<16x128x128xf32>, vector<16x80xi32>, vector<16x80xi32>
    }
    %scan3A_17 = arith.constant 80 : i32
    %swap3A = arith.constant 0 : index
    %swap3A_18 = arith.constant 0 : index
    %swap3A_19 = vector.load %arg2[%swap3A, %swap3A_18] : memref<16x80xi32, #tpu.memory_space<vmem>>, vector<16x80xi32>
    tpu.vector_store %arg2[%swap3A, %swap3A_18], %scan3A_16#1 {strides = array<i32>} : memref<16x80xi32, #tpu.memory_space<vmem>>, vector<16x80xi32>,
    %swap3A_20 = arith.constant 0 : index
    %swap3A_21 = arith.constant 0 : index
    %swap3A_22 = vector.load %arg3[%swap3A_20, %swap3A_21] : memref<16x80xi32, #tpu.memory_space<vmem>>, vector<16x80xi32>
    tpu.vector_store %arg3[%swap3A_20, %swap3A_21], %scan3A_16#2 {strides = array<i32>} : memref<16x80xi32, #tpu.memory_space<vmem>>, vector<16x80xi32>,
    return
  }
}

module attributes {stable_mosaic.version = 14 : i64} {
  func.func @_k4_body(%arg0: i32, %arg1: memref<1x1x80xi32, #tpu.memory_space<vmem>>, %arg2: memref<1x1x80xi32, #tpu.memory_space<vmem>>, %arg3: memref<1x512x64xf32, #tpu.memory_space<vmem>>, %arg4: memref<128x100xf32, #tpu.memory_space<vmem>>, %arg5: memref<1x100xf32, #tpu.memory_space<vmem>>, %arg6: memref<100x3xf32, #tpu.memory_space<vmem>>, %arg7: memref<1x3xf32, #tpu.memory_space<vmem>>, %arg8: memref<1x512x400xf32, #tpu.memory_space<vmem>>, %arg9: memref<1x1x32xf32, #tpu.memory_space<vmem>>, %arg10: memref<100x2xf32, #tpu.memory_space<vmem>>, %arg11: memref<1x2xf32, #tpu.memory_space<vmem>>, %arg12: memref<1x4096x2xf32, #tpu.memory_space<vmem>>, %arg13: memref<1x1x64xi32, #tpu.memory_space<vmem>>, %arg14: memref<1x1x64xi32, #tpu.memory_space<vmem>>, %arg15: memref<1x1x64xf32, #tpu.memory_space<vmem>>) attributes {dimension_semantics = [#tpu.dimension_semantics<arbitrary>], iteration_bounds = array<i64: 16>, scalar_prefetch = 0 : i64, scratch_operands = 0 : i64, tpu.core_type = #tpu.core_type<tc>, window_params = [{transform_indices = @transform_0, window_bounds = array<i64: 1, 1, 80>}, {transform_indices = @transform_1, window_bounds = array<i64: 1, 1, 80>}, {transform_indices = @transform_2, window_bounds = array<i64: 1, 512, 64>}, {pipeline_mode = #tpu.pipeline_mode<synchronous>, transform_indices = @transform_3, window_bounds = array<i64: 128, 100>}, {pipeline_mode = #tpu.pipeline_mode<synchronous>, transform_indices = @transform_4, window_bounds = array<i64: 1, 100>}, {pipeline_mode = #tpu.pipeline_mode<synchronous>, transform_indices = @transform_5, window_bounds = array<i64: 100, 3>}, {pipeline_mode = #tpu.pipeline_mode<synchronous>, transform_indices = @transform_6, window_bounds = array<i64: 1, 3>}, {transform_indices = @transform_7, window_bounds = array<i64: 1, 512, 400>}, {transform_indices = @transform_8, window_bounds = array<i64: 1, 1, 32>}, {pipeline_mode = #tpu.pipeline_mode<synchronous>, transform_indices = @transform_9, window_bounds = array<i64: 100, 2>}, {pipeline_mode = #tpu.pipeline_mode<synchronous>, transform_indices = @transform_10, window_bounds = array<i64: 1, 2>}, {transform_indices = @transform_11, window_bounds = array<i64: 1, 4096, 2>}, {transform_indices = @transform_12, window_bounds = array<i64: 1, 1, 64>}, {transform_indices = @transform_13, window_bounds = array<i64: 1, 1, 64>}, {transform_indices = @transform_14, window_bounds = array<i64: 1, 1, 64>}]} {
    %get3A = arith.constant 0 : index
    %get3A_0 = arith.constant 0 : index
    %get3A_1 = arith.constant 0 : index
    %get3A_2 = vector.load %arg1[%get3A, %get3A_0, %get3A_1] : memref<1x1x80xi32, #tpu.memory_space<vmem>>, vector<1x1x80xi32>
    %get3A_3 = vector.shape_cast %get3A_2 : vector<1x1x80xi32> to vector<1x80xi32>
    %shift_right_logical3A = arith.constant 10 : i32
    %shift_right_logical3A_4 = vector.broadcast %shift_right_logical3A : i32 to vector<1x80xi32>
    %shift_right_logical3A_5 = arith.shrui %get3A_3, %shift_right_logical3A_4 : vector<1x80xi32>
    %shift_right_logical3A_6 = arith.constant 1 : i32
    %shift_right_logical3A_7 = vector.broadcast %shift_right_logical3A_6 : i32 to vector<1x80xi32>
    %shift_right_logical3A_8 = arith.shrui %get3A_3, %shift_right_logical3A_7 : vector<1x80xi32>
    %and3A = arith.constant 511 : i32
    %and3A_9 = vector.broadcast %and3A : i32 to vector<1x80xi32>
    %and3A_10 = arith.andi %shift_right_logical3A_8, %and3A_9 : vector<1x80xi32>
    %and3A_11 = arith.constant 1 : i32
    %and3A_12 = vector.broadcast %and3A_11 : i32 to vector<1x80xi32>
    %and3A_13 = arith.andi %get3A_3, %and3A_12 : vector<1x80xi32>
    %convert_element_type3A = arith.sitofp %and3A_13 : vector<1x80xi32> to vector<1x80xf32>
    %get3A_14 = arith.constant 0 : index
    %get3A_15 = arith.constant 0 : index
    %get3A_16 = arith.constant 0 : index
    %get3A_17 = vector.load %arg2[%get3A_14, %get3A_15, %get3A_16] : memref<1x1x80xi32, #tpu.memory_space<vmem>>, vector<1x1x80xi32>
    %get3A_18 = vector.shape_cast %get3A_17 : vector<1x1x80xi32> to vector<1x80xi32>
    %iota3A = tpu.iota {dimensions = array<i32: 1>} : vector<80x512xi32>
    %reshape3A = vector.shape_cast %shift_right_logical3A_5 : vector<1x80xi32> to vector<80x1xi32>
    %eq3A = vector.broadcast %reshape3A : vector<80x1xi32> to vector<80x512xi32>
    %eq3A_19 = arith.cmpi eq, %eq3A, %iota3A : vector<80x512xi32>
    %jit3A = arith.constant 1.000000e+00 : f32
    %jit3A_20 = arith.constant 0.000000e+00 : f32
    %broadcast_in_dim3A = vector.broadcast %jit3A : f32 to vector<80x512xf32>
    %broadcast_in_dim3A_21 = vector.broadcast %jit3A_20 : f32 to vector<80x512xf32>
    %select_n3A = arith.select %eq3A_19, %broadcast_in_dim3A, %broadcast_in_dim3A_21 : vector<80x512xi1>, vector<80x512xf32>
    %reshape3A_22 = vector.shape_cast %and3A_10 : vector<1x80xi32> to vector<80x1xi32>
    %eq3A_23 = vector.broadcast %reshape3A_22 : vector<80x1xi32> to vector<80x512xi32>
    %eq3A_24 = arith.cmpi eq, %eq3A_23, %iota3A : vector<80x512xi32>
    %jit3A_25 = arith.constant 1.000000e+00 : f32
    %jit3A_26 = arith.constant 0.000000e+00 : f32
    %broadcast_in_dim3A_27 = vector.broadcast %jit3A_25 : f32 to vector<80x512xf32>
    %broadcast_in_dim3A_28 = vector.broadcast %jit3A_26 : f32 to vector<80x512xf32>
    %select_n3A_29 = arith.select %eq3A_24, %broadcast_in_dim3A_27, %broadcast_in_dim3A_28 : vector<80x512xi1>, vector<80x512xf32>
    %get3A_30 = arith.constant 0 : index
    %get3A_31 = arith.constant 0 : index
    %get3A_32 = arith.constant 0 : index
    %get3A_33 = vector.load %arg3[%get3A_30, %get3A_31, %get3A_32] : memref<1x512x64xf32, #tpu.memory_space<vmem>>, vector<1x512x64xf32>
    %get3A_34 = vector.shape_cast %get3A_33 : vector<1x512x64xf32> to vector<512x64xf32>
    %dot_general3A = arith.constant dense<0.000000e+00> : vector<80x64xf32>
    %dot_general3A_35 = tpu.matmul %select_n3A, %get3A_34, %dot_general3A {dimension_numbers = #tpu.dot_dimension_numbers<[1], [0], [0], [1], [0, 0, 1, 1], [], []>, precision = #tpu.contract_precision<fp32>, transpose_lhs_hint = false} : vector<80x512xf32>, vector<512x64xf32>, vector<80x64xf32> -> vector<80x64xf32>
    %get3A_36 = arith.constant 0 : index
    %get3A_37 = arith.constant 0 : index
    %get3A_38 = arith.constant 0 : index
    %get3A_39 = vector.load %arg3[%get3A_36, %get3A_37, %get3A_38] : memref<1x512x64xf32, #tpu.memory_space<vmem>>, vector<1x512x64xf32>
    %get3A_40 = vector.shape_cast %get3A_39 : vector<1x512x64xf32> to vector<512x64xf32>
    %dot_general3A_41 = arith.constant dense<0.000000e+00> : vector<80x64xf32>
    %dot_general3A_42 = tpu.matmul %select_n3A_29, %get3A_40, %dot_general3A_41 {dimension_numbers = #tpu.dot_dimension_numbers<[1], [0], [0], [1], [0, 0, 1, 1], [], []>, precision = #tpu.contract_precision<fp32>, transpose_lhs_hint = false} : vector<80x512xf32>, vector<512x64xf32>, vector<80x64xf32> -> vector<80x64xf32>
    %concatenate3A = tpu.concatenate %dot_general3A_35, %dot_general3A_42 in 1 : vector<80x64xf32>, vector<80x64xf32> -> vector<80x128xf32>
    %get3A_43 = arith.constant 0 : index
    %get3A_44 = arith.constant 0 : index
    %get3A_45 = vector.load %arg4[%get3A_43, %get3A_44] : memref<128x100xf32, #tpu.memory_space<vmem>>, vector<128x100xf32>
    %dot_general3A_46 = arith.constant dense<0.000000e+00> : vector<80x100xf32>
    %dot_general3A_47 = tpu.matmul %concatenate3A, %get3A_45, %dot_general3A_46 {dimension_numbers = #tpu.dot_dimension_numbers<[1], [0], [0], [1], [0, 0, 1, 1], [], []>, transpose_lhs_hint = false} : vector<80x128xf32>, vector<128x100xf32>, vector<80x100xf32> -> vector<80x100xf32>
    %get3A_48 = arith.constant 0 : index
    %get3A_49 = arith.constant 0 : index
    %get3A_50 = vector.load %arg5[%get3A_48, %get3A_49] : memref<1x100xf32, #tpu.memory_space<vmem>>, vector<1x100xf32>
    %add3A = vector.broadcast %get3A_50 : vector<1x100xf32> to vector<80x100xf32>
    %add3A_51 = arith.addf %dot_general3A_47, %add3A : vector<80x100xf32>
    %max3A = arith.constant 0.000000e+00 : f32
    %max3A_52 = vector.broadcast %max3A : f32 to vector<80x100xf32>
    %max3A_53 = arith.maximumf %add3A_51, %max3A_52 : vector<80x100xf32>
    %get3A_54 = arith.constant 0 : index
    %get3A_55 = arith.constant 0 : index
    %get3A_56 = vector.load %arg6[%get3A_54, %get3A_55] : memref<100x3xf32, #tpu.memory_space<vmem>>, vector<100x3xf32>
    %dot_general3A_57 = arith.constant dense<0.000000e+00> : vector<80x3xf32>
    %dot_general3A_58 = tpu.matmul %max3A_53, %get3A_56, %dot_general3A_57 {dimension_numbers = #tpu.dot_dimension_numbers<[1], [0], [0], [1], [0, 0, 1, 1], [], []>, transpose_lhs_hint = false} : vector<80x100xf32>, vector<100x3xf32>, vector<80x3xf32> -> vector<80x3xf32>
    %get3A_59 = arith.constant 0 : index
    %get3A_60 = arith.constant 0 : index
    %get3A_61 = vector.load %arg7[%get3A_59, %get3A_60] : memref<1x3xf32, #tpu.memory_space<vmem>>, vector<1x3xf32>
    %add3A_62 = vector.broadcast %get3A_61 : vector<1x3xf32> to vector<80x3xf32>
    %add3A_63 = arith.addf %dot_general3A_58, %add3A_62 : vector<80x3xf32>
    %slice3A = vector.extract_strided_slice %add3A_63 {offsets = [0, 1], sizes = [80, 2], strides = [1, 1]} : vector<80x3xf32> to vector<80x2xf32>
    %reduce_max3A = arith.constant dense<0xFF800000> : vector<80xf32>
    %reduce_max3A_64 = vector.multi_reduction <maximumf>, %slice3A, %reduce_max3A [1] : vector<80x2xf32> to vector<80xf32>
    %broadcast_in_dim3A_65 = vector.shape_cast %reduce_max3A_64 : vector<80xf32> to vector<80x1xf32>
    %reshape3A_66 = vector.shape_cast %convert_element_type3A : vector<1x80xf32> to vector<80x1xf32>
    %gt3A = arith.constant 0.000000e+00 : f32
    %gt3A_67 = vector.broadcast %gt3A : f32 to vector<80x1xf32>
    %gt3A_68 = arith.cmpf ogt, %reshape3A_66, %gt3A_67 : vector<80x1xf32>
    %jit3A_69 = arith.constant -1.000000e+30 : f32
    %broadcast_in_dim3A_70 = vector.broadcast %jit3A_69 : f32 to vector<80x1xf32>
    %select_n3A_71 = arith.select %gt3A_68, %broadcast_in_dim3A_65, %broadcast_in_dim3A_70 : vector<80x1xi1>, vector<80x1xf32>
    %reshape3A_72 = vector.shape_cast %get3A_18 : vector<1x80xi32> to vector<80x1xi32>
    %reshape3A_73 = vector.shape_cast %shift_right_logical3A_5 : vector<1x80xi32> to vector<80x1xi32>
    %reshape3A_74 = vector.shape_cast %and3A_10 : vector<1x80xi32> to vector<80x1xi32>
    %reshape3A_75 = vector.shape_cast %select_n3A_71 : vector<80x1xf32> to vector<1x80xf32>
    %reshape3A_76 = vector.shape_cast %reshape3A_72 : vector<80x1xi32> to vector<1x80xi32>
    %gt3A_77 = vector.broadcast %select_n3A_71 : vector<80x1xf32> to vector<80x80xf32>
    %gt3A_78 = vector.broadcast %reshape3A_75 : vector<1x80xf32> to vector<80x80xf32>
    %gt3A_79 = arith.cmpf ogt, %gt3A_77, %gt3A_78 : vector<80x80xf32>
    %eq3A_80 = vector.broadcast %select_n3A_71 : vector<80x1xf32> to vector<80x80xf32>
    %eq3A_81 = vector.broadcast %reshape3A_75 : vector<1x80xf32> to vector<80x80xf32>
    %eq3A_82 = arith.cmpf oeq, %eq3A_80, %eq3A_81 : vector<80x80xf32>
    %lt3A = vector.broadcast %reshape3A_72 : vector<80x1xi32> to vector<80x80xi32>
    %lt3A_83 = vector.broadcast %reshape3A_76 : vector<1x80xi32> to vector<80x80xi32>
    %lt3A_84 = arith.cmpi slt, %lt3A, %lt3A_83 : vector<80x80xi32>
    %and3A_85 = arith.andi %eq3A_82, %lt3A_84 : vector<80x80xi1>
    %or3A = arith.ori %gt3A_79, %and3A_85 : vector<80x80xi1>
    %convert_element_type3A_86 = arith.extui %or3A : vector<80x80xi1> to vector<80x80xi32>
    %reduce_sum3A = arith.constant dense<0> : vector<80xi32>
    %reduce_sum3A_87 = vector.multi_reduction <add>, %convert_element_type3A_86, %reduce_sum3A [0] : vector<80x80xi32> to vector<80xi32>
    %broadcast_in_dim3A_88 = vector.shape_cast %reduce_sum3A_87 : vector<80xi32> to vector<1x80xi32>
    %reshape3A_89 = vector.shape_cast %broadcast_in_dim3A_88 : vector<1x80xi32> to vector<80x1xi32>
    %iota3A_90 = tpu.iota {dimensions = array<i32: 1>} : vector<1x64xi32>
    %eq3A_91 = vector.broadcast %reshape3A_89 : vector<80x1xi32> to vector<80x64xi32>
    %eq3A_92 = vector.broadcast %iota3A_90 : vector<1x64xi32> to vector<80x64xi32>
    %eq3A_93 = arith.cmpi eq, %eq3A_91, %eq3A_92 : vector<80x64xi32>
    %jit3A_94 = arith.constant 0 : i32
    %broadcast_in_dim3A_95 = vector.shape_cast %reshape3A_73 : vector<80x1xi32> to vector<80x1xi32>
    %broadcast_in_dim3A_96 = vector.broadcast %broadcast_in_dim3A_95 : vector<80x1xi32> to vector<80x64xi32>
    %broadcast_in_dim3A_97 = vector.broadcast %jit3A_94 : i32 to vector<80x64xi32>
    %select_n3A_98 = arith.select %eq3A_93, %broadcast_in_dim3A_96, %broadcast_in_dim3A_97 : vector<80x64xi1>, vector<80x64xi32>
    %reduce_max3A_99 = arith.constant dense<-2147483648> : vector<64xi32>
    %reduce_max3A_100 = vector.multi_reduction <maxsi>, %select_n3A_98, %reduce_max3A_99 [0] : vector<80x64xi32> to vector<64xi32>
    %broadcast_in_dim3A_101 = vector.shape_cast %reduce_max3A_100 : vector<64xi32> to vector<1x64xi32>
    %jit3A_102 = arith.constant 0 : i32
    %broadcast_in_dim3A_103 = vector.shape_cast %reshape3A_74 : vector<80x1xi32> to vector<80x1xi32>
    %broadcast_in_dim3A_104 = vector.broadcast %broadcast_in_dim3A_103 : vector<80x1xi32> to vector<80x64xi32>
    %broadcast_in_dim3A_105 = vector.broadcast %jit3A_102 : i32 to vector<80x64xi32>
    %select_n3A_106 = arith.select %eq3A_93, %broadcast_in_dim3A_104, %broadcast_in_dim3A_105 : vector<80x64xi1>, vector<80x64xi32>
    %reduce_max3A_107 = arith.constant dense<-2147483648> : vector<64xi32>
    %reduce_max3A_108 = vector.multi_reduction <maxsi>, %select_n3A_106, %reduce_max3A_107 [0] : vector<80x64xi32> to vector<64xi32>
    %broadcast_in_dim3A_109 = vector.shape_cast %reduce_max3A_108 : vector<64xi32> to vector<1x64xi32>
    %jit3A_110 = arith.constant 0.000000e+00 : f32
    %broadcast_in_dim3A_111 = vector.shape_cast %reshape3A_66 : vector<80x1xf32> to vector<80x1xf32>
    %broadcast_in_dim3A_112 = vector.broadcast %broadcast_in_dim3A_111 : vector<80x1xf32> to vector<80x64xf32>
    %broadcast_in_dim3A_113 = vector.broadcast %jit3A_110 : f32 to vector<80x64xf32>
    %select_n3A_114 = arith.select %eq3A_93, %broadcast_in_dim3A_112, %broadcast_in_dim3A_113 : vector<80x64xi1>, vector<80x64xf32>
    %reduce_max3A_115 = arith.constant dense<0xFF800000> : vector<64xf32>
    %reduce_max3A_116 = vector.multi_reduction <maximumf>, %select_n3A_114, %reduce_max3A_115 [0] : vector<80x64xf32> to vector<64xf32>
    %broadcast_in_dim3A_117 = vector.shape_cast %reduce_max3A_116 : vector<64xf32> to vector<1x64xf32>
    %get3A_118 = arith.constant 0 : index
    %get3A_119 = arith.constant 0 : index
    %get3A_120 = arith.constant 0 : index
    %get3A_121 = vector.load %arg9[%get3A_118, %get3A_119, %get3A_120] : memref<1x1x32xf32, #tpu.memory_space<vmem>>, vector<1x1x32xf32>
    %reduce_max3A_122 = vector.shape_cast %get3A_121 : vector<1x1x32xf32> to vector<1x1x1x32xf32>
    %reduce_max3A_123 = arith.constant dense<0xFF800000> : vector<1xf32>
    %reduce_max3A_124 = vector.multi_reduction <maximumf>, %reduce_max3A_122, %reduce_max3A_123 [1, 2, 3] : vector<1x1x1x32xf32> to vector<1xf32>
    %reduce_max3A_125 = vector.shape_cast %reduce_max3A_124 : vector<1xf32> to vector<1x1x1x1xf32>
    %reduce_max3A_126 = vector.extract %reduce_max3A_125[0, 0, 0, 0] : f32 from vector<1x1x1x1xf32>
    %mul3A = arith.constant 1.250000e-01 : f32
    %mul3A_127 = arith.mulf %mul3A, %reduce_max3A_126 : f32
    %ceil3A = math.ceil %mul3A_127 : f32
    %jit3A_128 = arith.constant 1.000000e+00 : f32
    %jit3A_129 = arith.constant 6.400000e+01 : f32
    %max3A_130 = arith.maximumf %jit3A_128, %ceil3A : f32
    %min3A = arith.minimumf %jit3A_129, %max3A_130 : f32
    %convert_element_type3A_131 = arith.sitofp %iota3A_90 : vector<1x64xi32> to vector<1x64xf32>
    %lt3A_132 = vector.broadcast %min3A : f32 to vector<1x64xf32>
    %lt3A_133 = arith.cmpf olt, %convert_element_type3A_131, %lt3A_132 : vector<1x64xf32>
    %jit3A_134 = arith.constant 0.000000e+00 : f32
    %broadcast_in_dim3A_135 = vector.broadcast %jit3A_134 : f32 to vector<1x64xf32>
    %select_n3A_136 = arith.select %lt3A_133, %broadcast_in_dim3A_117, %broadcast_in_dim3A_135 : vector<1x64xi1>, vector<1x64xf32>
    %iota3A_137 = tpu.iota {dimensions = array<i32: 1>} : vector<64x512xi32>
    %reshape3A_138 = vector.shape_cast %broadcast_in_dim3A_101 : vector<1x64xi32> to vector<64x1xi32>
    %eq3A_139 = vector.broadcast %reshape3A_138 : vector<64x1xi32> to vector<64x512xi32>
    %eq3A_140 = arith.cmpi eq, %eq3A_139, %iota3A_137 : vector<64x512xi32>
    %jit3A_141 = arith.constant 1.000000e+00 : f32
    %jit3A_142 = arith.constant 0.000000e+00 : f32
    %broadcast_in_dim3A_143 = vector.broadcast %jit3A_141 : f32 to vector<64x512xf32>
    %broadcast_in_dim3A_144 = vector.broadcast %jit3A_142 : f32 to vector<64x512xf32>
    %select_n3A_145 = arith.select %eq3A_140, %broadcast_in_dim3A_143, %broadcast_in_dim3A_144 : vector<64x512xi1>, vector<64x512xf32>
    %reshape3A_146 = vector.shape_cast %broadcast_in_dim3A_109 : vector<1x64xi32> to vector<64x1xi32>
    %eq3A_147 = vector.broadcast %reshape3A_146 : vector<64x1xi32> to vector<64x512xi32>
    %eq3A_148 = arith.cmpi eq, %eq3A_147, %iota3A_137 : vector<64x512xi32>
    %jit3A_149 = arith.constant 1.000000e+00 : f32
    %jit3A_150 = arith.constant 0.000000e+00 : f32
    %broadcast_in_dim3A_151 = vector.broadcast %jit3A_149 : f32 to vector<64x512xf32>
    %broadcast_in_dim3A_152 = vector.broadcast %jit3A_150 : f32 to vector<64x512xf32>
    %select_n3A_153 = arith.select %eq3A_148, %broadcast_in_dim3A_151, %broadcast_in_dim3A_152 : vector<64x512xi1>, vector<64x512xf32>
    %get3A_154 = arith.constant 0 : index
    %get3A_155 = arith.constant 0 : index
    %get3A_156 = arith.constant 0 : index
    %get3A_157 = vector.load %arg8[%get3A_154, %get3A_155, %get3A_156] : memref<1x512x400xf32, #tpu.memory_space<vmem>>, vector<1x512x400xf32>
    %get3A_158 = vector.shape_cast %get3A_157 : vector<1x512x400xf32> to vector<512x400xf32>
    %dot_general3A_159 = arith.constant dense<0.000000e+00> : vector<64x400xf32>
    %dot_general3A_160 = tpu.matmul %select_n3A_145, %get3A_158, %dot_general3A_159 {dimension_numbers = #tpu.dot_dimension_numbers<[1], [0], [0], [1], [0, 0, 1, 1], [], []>, transpose_lhs_hint = false} : vector<64x512xf32>, vector<512x400xf32>, vector<64x400xf32> -> vector<64x400xf32>
    %get3A_161 = arith.constant 0 : index
    %get3A_162 = arith.constant 0 : index
    %get3A_163 = arith.constant 0 : index
    %get3A_164 = vector.load %arg8[%get3A_161, %get3A_162, %get3A_163] : memref<1x512x400xf32, #tpu.memory_space<vmem>>, vector<1x512x400xf32>
    %get3A_165 = vector.shape_cast %get3A_164 : vector<1x512x400xf32> to vector<512x400xf32>
    %dot_general3A_166 = arith.constant dense<0.000000e+00> : vector<64x400xf32>
    %dot_general3A_167 = tpu.matmul %select_n3A_153, %get3A_165, %dot_general3A_166 {dimension_numbers = #tpu.dot_dimension_numbers<[1], [0], [0], [1], [0, 0, 1, 1], [], []>, transpose_lhs_hint = false} : vector<64x512xf32>, vector<512x400xf32>, vector<64x400xf32> -> vector<64x400xf32>
    %slice3A_168 = vector.extract_strided_slice %dot_general3A_160 {offsets = [0, 0], sizes = [64, 100], strides = [1, 1]} : vector<64x400xf32> to vector<64x100xf32>
    %slice3A_169 = vector.extract_strided_slice %dot_general3A_167 {offsets = [0, 100], sizes = [64, 100], strides = [1, 1]} : vector<64x400xf32> to vector<64x100xf32>
    %add3A_170 = arith.addf %slice3A_168, %slice3A_169 : vector<64x100xf32>
    %slice3A_171 = vector.extract_strided_slice %dot_general3A_160 {offsets = [0, 200], sizes = [64, 100], strides = [1, 1]} : vector<64x400xf32> to vector<64x100xf32>
    %slice3A_172 = vector.extract_strided_slice %dot_general3A_167 {offsets = [0, 300], sizes = [64, 100], strides = [1, 1]} : vector<64x400xf32> to vector<64x100xf32>
    %add3A_173 = arith.addf %slice3A_171, %slice3A_172 : vector<64x100xf32>
    %reshape3A_174 = vector.shape_cast %add3A_170 : vector<64x100xf32> to vector<64x1x100xf32>
    %broadcast_in_dim3A_175 = vector.shape_cast %reshape3A_174 : vector<64x1x100xf32> to vector<64x1x100xf32>
    %broadcast_in_dim3A_176 = vector.broadcast %broadcast_in_dim3A_175 : vector<64x1x100xf32> to vector<64x64x100xf32>
    %reshape3A_177 = vector.shape_cast %add3A_173 : vector<64x100xf32> to vector<1x64x100xf32>
    %broadcast_in_dim3A_178 = vector.shape_cast %reshape3A_177 : vector<1x64x100xf32> to vector<1x64x100xf32>
    %broadcast_in_dim3A_179 = vector.broadcast %broadcast_in_dim3A_178 : vector<1x64x100xf32> to vector<64x64x100xf32>
    %add3A_180 = arith.addf %broadcast_in_dim3A_176, %broadcast_in_dim3A_179 : vector<64x64x100xf32>
    %max3A_181 = arith.constant 0.000000e+00 : f32
    %max3A_182 = vector.broadcast %max3A_181 : f32 to vector<64x64x100xf32>
    %max3A_183 = arith.maximumf %add3A_180, %max3A_182 : vector<64x64x100xf32>
    %reshape3A_184 = vector.shape_cast %max3A_183 : vector<64x64x100xf32> to vector<4096x100xf32>
    %get3A_185 = arith.constant 0 : index
    %get3A_186 = arith.constant 0 : index
    %get3A_187 = vector.load %arg10[%get3A_185, %get3A_186] : memref<100x2xf32, #tpu.memory_space<vmem>>, vector<100x2xf32>
    %dot_general3A_188 = arith.constant dense<0.000000e+00> : vector<4096x2xf32>
    %dot_general3A_189 = tpu.matmul %reshape3A_184, %get3A_187, %dot_general3A_188 {dimension_numbers = #tpu.dot_dimension_numbers<[1], [0], [0], [1], [0, 0, 1, 1], [], []>, transpose_lhs_hint = false} : vector<4096x100xf32>, vector<100x2xf32>, vector<4096x2xf32> -> vector<4096x2xf32>
    %get3A_190 = arith.constant 0 : index
    %get3A_191 = arith.constant 0 : index
    %get3A_192 = vector.load %arg11[%get3A_190, %get3A_191] : memref<1x2xf32, #tpu.memory_space<vmem>>, vector<1x2xf32>
    %add3A_193 = vector.broadcast %get3A_192 : vector<1x2xf32> to vector<4096x2xf32>
    %add3A_194 = arith.addf %dot_general3A_189, %add3A_193 : vector<4096x2xf32>
    %swap3A = arith.constant 0 : index
    %swap3A_195 = arith.constant 0 : index
    %swap3A_196 = arith.constant 0 : index
    %swap3A_197 = vector.load %arg12[%swap3A, %swap3A_195, %swap3A_196] : memref<1x4096x2xf32, #tpu.memory_space<vmem>>, vector<1x4096x2xf32>
    %swap3A_198 = vector.shape_cast %swap3A_197 : vector<1x4096x2xf32> to vector<4096x2xf32>
    %swap3A_199 = vector.shape_cast %add3A_194 : vector<4096x2xf32> to vector<1x4096x2xf32>
    tpu.vector_store %arg12[%swap3A, %swap3A_195, %swap3A_196], %swap3A_199 {strides = array<i32>} : memref<1x4096x2xf32, #tpu.memory_space<vmem>>, vector<1x4096x2xf32>,
    %swap3A_200 = arith.constant 0 : index
    %swap3A_201 = arith.constant 0 : index
    %swap3A_202 = arith.constant 0 : index
    %swap3A_203 = vector.load %arg13[%swap3A_200, %swap3A_201, %swap3A_202] : memref<1x1x64xi32, #tpu.memory_space<vmem>>, vector<1x1x64xi32>
    %swap3A_204 = vector.shape_cast %swap3A_203 : vector<1x1x64xi32> to vector<1x64xi32>
    %swap3A_205 = vector.shape_cast %broadcast_in_dim3A_101 : vector<1x64xi32> to vector<1x1x64xi32>
    tpu.vector_store %arg13[%swap3A_200, %swap3A_201, %swap3A_202], %swap3A_205 {strides = array<i32>} : memref<1x1x64xi32, #tpu.memory_space<vmem>>, vector<1x1x64xi32>,
    %swap3A_206 = arith.constant 0 : index
    %swap3A_207 = arith.constant 0 : index
    %swap3A_208 = arith.constant 0 : index
    %swap3A_209 = vector.load %arg14[%swap3A_206, %swap3A_207, %swap3A_208] : memref<1x1x64xi32, #tpu.memory_space<vmem>>, vector<1x1x64xi32>
    %swap3A_210 = vector.shape_cast %swap3A_209 : vector<1x1x64xi32> to vector<1x64xi32>
    %swap3A_211 = vector.shape_cast %broadcast_in_dim3A_109 : vector<1x64xi32> to vector<1x1x64xi32>
    tpu.vector_store %arg14[%swap3A_206, %swap3A_207, %swap3A_208], %swap3A_211 {strides = array<i32>} : memref<1x1x64xi32, #tpu.memory_space<vmem>>, vector<1x1x64xi32>,
    %swap3A_212 = arith.constant 0 : index
    %swap3A_213 = arith.constant 0 : index
    %swap3A_214 = arith.constant 0 : index
    %swap3A_215 = vector.load %arg15[%swap3A_212, %swap3A_213, %swap3A_214] : memref<1x1x64xf32, #tpu.memory_space<vmem>>, vector<1x1x64xf32>
    %swap3A_216 = vector.shape_cast %swap3A_215 : vector<1x1x64xf32> to vector<1x64xf32>
    %swap3A_217 = vector.shape_cast %select_n3A_136 : vector<1x64xf32> to vector<1x1x64xf32>
    tpu.vector_store %arg15[%swap3A_212, %swap3A_213, %swap3A_214], %swap3A_217 {strides = array<i32>} : memref<1x1x64xf32, #tpu.memory_space<vmem>>, vector<1x1x64xf32>,
    return
  }
  func.func @transform_0(%arg0: i32) -> (i32, i32, i32) {
    %c0_i32 = arith.constant 0 : i32
    %c0_i32_0 = arith.constant 0 : i32
    %c0_i32_1 = arith.constant 0 : i32
    return %arg0, %c0_i32, %c0_i32_0 : i32, i32, i32
  }
  func.func @transform_1(%arg0: i32) -> (i32, i32, i32) {
    %c0_i32 = arith.constant 0 : i32
    %c0_i32_0 = arith.constant 0 : i32
    %c0_i32_1 = arith.constant 0 : i32
    return %arg0, %c0_i32, %c0_i32_0 : i32, i32, i32
  }
  func.func @transform_2(%arg0: i32) -> (i32, i32, i32) {
    %c0_i32 = arith.constant 0 : i32
    %c0_i32_0 = arith.constant 0 : i32
    %c0_i32_1 = arith.constant 0 : i32
    return %arg0, %c0_i32, %c0_i32_0 : i32, i32, i32
  }
  func.func @transform_3(%arg0: i32) -> (i32, i32) {
    %c0_i32 = arith.constant 0 : i32
    %c0_i32_0 = arith.constant 0 : i32
    %c0_i32_1 = arith.constant 0 : i32
    return %c0_i32, %c0_i32_0 : i32, i32
  }
  func.func @transform_4(%arg0: i32) -> (i32, i32) {
    %c0_i32 = arith.constant 0 : i32
    %c0_i32_0 = arith.constant 0 : i32
    %c0_i32_1 = arith.constant 0 : i32
    return %c0_i32, %c0_i32_0 : i32, i32
  }
  func.func @transform_5(%arg0: i32) -> (i32, i32) {
    %c0_i32 = arith.constant 0 : i32
    %c0_i32_0 = arith.constant 0 : i32
    %c0_i32_1 = arith.constant 0 : i32
    return %c0_i32, %c0_i32_0 : i32, i32
  }
  func.func @transform_6(%arg0: i32) -> (i32, i32) {
    %c0_i32 = arith.constant 0 : i32
    %c0_i32_0 = arith.constant 0 : i32
    %c0_i32_1 = arith.constant 0 : i32
    return %c0_i32, %c0_i32_0 : i32, i32
  }
  func.func @transform_7(%arg0: i32) -> (i32, i32, i32) {
    %c0_i32 = arith.constant 0 : i32
    %c0_i32_0 = arith.constant 0 : i32
    %c0_i32_1 = arith.constant 0 : i32
    return %arg0, %c0_i32, %c0_i32_0 : i32, i32, i32
  }
  func.func @transform_8(%arg0: i32) -> (i32, i32, i32) {
    %c0_i32 = arith.constant 0 : i32
    %c0_i32_0 = arith.constant 0 : i32
    %c0_i32_1 = arith.constant 0 : i32
    return %arg0, %c0_i32, %c0_i32_0 : i32, i32, i32
  }
  func.func @transform_9(%arg0: i32) -> (i32, i32) {
    %c0_i32 = arith.constant 0 : i32
    %c0_i32_0 = arith.constant 0 : i32
    %c0_i32_1 = arith.constant 0 : i32
    return %c0_i32, %c0_i32_0 : i32, i32
  }
  func.func @transform_10(%arg0: i32) -> (i32, i32) {
    %c0_i32 = arith.constant 0 : i32
    %c0_i32_0 = arith.constant 0 : i32
    %c0_i32_1 = arith.constant 0 : i32
    return %c0_i32, %c0_i32_0 : i32, i32
  }
  func.func @transform_11(%arg0: i32) -> (i32, i32, i32) {
    %c0_i32 = arith.constant 0 : i32
    %c0_i32_0 = arith.constant 0 : i32
    %c0_i32_1 = arith.constant 0 : i32
    return %arg0, %c0_i32, %c0_i32_0 : i32, i32, i32
  }
  func.func @transform_12(%arg0: i32) -> (i32, i32, i32) {
    %c0_i32 = arith.constant 0 : i32
    %c0_i32_0 = arith.constant 0 : i32
    %c0_i32_1 = arith.constant 0 : i32
    return %arg0, %c0_i32, %c0_i32_0 : i32, i32, i32
  }
  func.func @transform_13(%arg0: i32) -> (i32, i32, i32) {
    %c0_i32 = arith.constant 0 : i32
    %c0_i32_0 = arith.constant 0 : i32
    %c0_i32_1 = arith.constant 0 : i32
    return %arg0, %c0_i32, %c0_i32_0 : i32, i32, i32
  }
  func.func @transform_14(%arg0: i32) -> (i32, i32, i32) {
    %c0_i32 = arith.constant 0 : i32
    %c0_i32_0 = arith.constant 0 : i32
    %c0_i32_1 = arith.constant 0 : i32
    return %arg0, %c0_i32, %c0_i32_0 : i32, i32, i32
  }
}

</mosaic_0001>

<sc_bundles>
// kernel: kernel.6.cloned.1.call-start
scs
__scs_entry_jumppad:
0x0: {  	(pc) =	sbr.rel $0x88, $3  }
0x1: {  	(tag) =	ssettag $0x0;
	lr =	simm.s32 $0x1  }
0x2: {  	[smem:$0x3F94] =	sst lr;
	_ =	strace $0xD0000000  }
0x3: {  	_ = 	snop  }
0x4: {  	_ = 	snop  }
0x5: {  	_ = 	snop  }
0x6: {  	_ = 	snop  }
0x7: {  	_ = 	snop  }
__scs_overlays_trampoline_lowered:
0x8: {  	[smem:$0x3FA3] =	sst s0  }
0x9: {  	[smem:$0x3FA4] =	sst s1  }
0xa: {  	[smem:$0x3FA5] =	sst s2  }
0xb: {  	[smem:$0x3FA6] =	sst s3  }
0xc: {  	[smem:$0x3FA7] =	sst s4  }
0xd: {  	[smem:$0x3FA8] =	sst s5  }
0xe: {  	[smem:$0x3FA9] =	sst s6  }
0xf: {  	[smem:$0x3FAA] =	sst s7  }
0x10: {  	[smem:$0x3FAB] =	sst s8  }
0x11: {  	[smem:$0x3FAC] =	sst s9;
	s0 =	simm.s32 @!p0 $0x0  }
0x12: {  	s1 =	sld [smem:$0x3F92];
	s0 =	simm.s32 @p0 $0x1  }
0x13: {  	[smem:$0x3FAD] =	sst s0;
	s0 =	simm.s32 @!p1 $0x0  }
0x14: {  	s2 =	sld [smem:$0x3F91];
	s0 =	simm.s32 @p1 $0x1  }
0x15: {  	[smem:$0x3FAE] =	sst s0;
	s0 =	simm.s32 @!p2 $0x0  }
0x16: {  	s3 =	sld [smem:$0x3FDB];
	s0 =	simm.s32 @p2 $0x1  }
0x17: {  	s4 =	simm.s32 $0x1BF5;
	[smem:$0x3FB0] =	sst s0  }
0x18: {  	s0 =	sld [smem:$0x3F93];
	_ =	swait.ge [sflag:s4], $0x0  }
0x19: {  	s7 =	sld [smem:$0x3F94]  }
0x1a: {  	s8 =	sadd.s32 $0xFFFFE003, lr  }
0x1b: {  	s9 =	sadd.s32 $0xFFFFFEF7, lr;
	s5 =	simm.s32 $0xFFFFFFFF;
	p2 =	slt.u32 s8, $0xFFFFF086  }
0x1c: {  	p1 =	slt.u32 s9, $0xF7A;
	s5 =	simm.s32 @!p2 $0x0  }
0x1d: {  	s5 =	simm.s32 @p1 $0x1;
	p0 =	seq.s32 s7, s2  }
0x1e: {  	s7 =	smul.u32 @!p0 $0xF7A, s2;
	p2 =	seq.s32 @!p0 s5, $0x0  }
0x1f: {  	s9 =	smul.u32 $0xF7A, s1;
	s8 =	simm.s32 @!p0 $0x1BF5;
	p2 =	por !p2, p0  }
0x20: {  	[sflag:s8] =	ssyncset.s32 @!p0 $0xFFFFF086;
	s6 =	sadd.s32 @!p0 s3, s7;
	s7 =	simm.s32 @!p0 $0x108  }
0x21: {  	s3 =	sadd.s32 s3, s9;
	s6 =	sadd.s32 @!p0 $0x88, s6;
	s7 =	simm.s32 @p2 $0x1082  }
0x22: {  	[simem:s7], [sflag:s8] =	dma.local @!p0 [hbm:s6], $0xF7A  }
0x23: {  	s9 =	sor.u32 $0xD0000000, s2;
	s6 =	simm.s32 $0x108;
	_ =	swait.ge @!p0 [sflag:s8], $0x0  }
0x24: {  	s3 =	sadd.s32 $0x88, s3;
	s6 =	simm.s32 @!p1 $0x1082;
	[sflag:s4] =	ssyncset.s32 $0xFFFFF086  }
0x25: {  	[simem:s6], [sflag:s4] =	dma.local [hbm:s3], $0xF7A  }
0x26: {  	[smem:$0x3F94] =	sst s1;
	(tag) =	ssettag s2;
	_ =	strace s9  }
0x27: {  	s1 =	sld [smem:$0x3FA4]  }
0x28: {  	s2 =	sld [smem:$0x3FA5]  }
0x29: {  	s4 =	sld [smem:$0x3FA7]  }
0x2a: {  	p0 =	seq.s32 s5, $0x0;
	s5 =	sld [smem:$0x3FA8]  }
0x2b: {  	s6 =	sld [smem:$0x3FA9]  }
0x2c: {  	s7 =	sld [smem:$0x3FAA]  }
0x2d: {  	s3 =	simm.s32 $0x108;
	s8 =	sld [smem:$0x3FAB]  }
0x2e: {  	s3 =	simm.s32 @!p0 $0x1082;
	s9 =	sld [smem:$0x3FAC]  }
0x2f: {  	lr =	sadd.s32 s0, s3;
	s0 =	sld [smem:$0x3FA3]  }
0x30: {  	s3 =	sld [smem:$0x3FA6]  }
0x31: {  	[smem:$0x3FAF] =	sst s10  }
0x32: {  	s10 =	sld [smem:$0x3FAD];
	_ =	sdelay $0x3  }
0x33: {  	p0 =	seq.s32 s10, $0x1;
	s10 =	sld [smem:$0x3FAF];
	_ =	sdelay $0x3  }
0x34: {  	[smem:$0x3FAF] =	sst s10  }
0x35: {  	s10 =	sld [smem:$0x3FAE];
	_ =	sdelay $0x3  }
0x36: {  	p1 =	seq.s32 s10, $0x1;
	s10 =	sld [smem:$0x3FAF];
	_ =	sdelay $0x3  }
0x37: {  	[smem:$0x3FAF] =	sst s10  }
0x38: {  	s10 =	sld [smem:$0x3FB0]  }
0x39: {  	_ = 	snop;
	(pc) =	sbr.ind lr, $3  }
0x3a: {  	_ = 	snop  }
0x3b: {  	_ = 	snop  }
0x3c: {  	p2 =	seq.s32 s10, $0x1;
	s10 =	sld [smem:$0x3FAF]  }
0x3d: {  	_ =	shalt  }
0x3e: {  	_ =	shalt  }
0x3f: {  	_ =	shalt  }
0x40: {  	_ =	shalt  }
0x41: {  	_ =	shalt  }
0x42: {  	_ =	shalt  }
0x43: {  	_ =	shalt  }
0x44: {  	_ =	shalt  }
0x45: {  	_ =	shalt  }
0x46: {  	_ =	shalt  }
0x47: {  	_ =	shalt  }
0x48: {  	_ =	shalt  }
0x49: {  	_ =	shalt  }
0x4a: {  	_ =	shalt  }
0x4b: {  	_ =	shalt  }
0x4c: {  	_ =	shalt  }
0x4d: {  	_ =	shalt  }
0x4e: {  	_ =	shalt  }
0x4f: {  	_ =	shalt  }
0x50: {  	_ =	shalt  }
0x51: {  	_ =	shalt  }
0x52: {  	_ =	shalt  }
0x53: {  	_ =	shalt  }
0x54: {  	_ =	shalt  }
0x55: {  	_ =	shalt  }
0x56: {  	_ =	shalt  }
0x57: {  	_ =	shalt  }
0x58: {  	_ =	shalt  }
0x59: {  	_ =	shalt  }
0x5a: {  	_ =	shalt  }
0x5b: {  	_ =	shalt  }
0x5c: {  	_ =	shalt  }
0x5d: {  	_ =	shalt  }
0x5e: {  	_ =	shalt  }
0x5f: {  	_ =	shalt  }
0x60: {  	_ =	shalt  }
0x61: {  	_ =	shalt  }
0x62: {  	_ =	shalt  }
0x63: {  	_ =	shalt  }
0x64: {  	_ =	shalt  }
0x65: {  	_ =	shalt  }
0x66: {  	_ =	shalt  }
0x67: {  	_ =	shalt  }
0x68: {  	_ =	shalt  }
0x69: {  	_ =	shalt  }
0x6a: {  	_ =	shalt  }
0x6b: {  	_ =	shalt  }
0x6c: {  	_ =	shalt  }
0x6d: {  	_ =	shalt  }
0x6e: {  	_ =	shalt  }
0x6f: {  	_ =	shalt  }
0x70: {  	_ =	shalt  }
0x71: {  	_ =	shalt  }
0x72: {  	_ =	shalt  }
0x73: {  	_ =	shalt  }
0x74: {  	_ =	shalt  }
0x75: {  	_ =	shalt  }
0x76: {  	_ =	shalt  }
0x77: {  	_ =	shalt  }
0x78: {  	_ =	shalt  }
0x79: {  	_ =	shalt  }
0x7a: {  	_ =	shalt  }
0x7b: {  	_ =	shalt  }
0x7c: {  	_ =	shalt  }
0x7d: {  	_ =	shalt  }
0x7e: {  	_ =	shalt  }
0x7f: {  	_ =	shalt  }
0x80: {  	_ =	shalt  }
0x81: {  	_ =	shalt  }
0x82: {  	_ =	shalt  }
0x83: {  	_ =	shalt  }
0x84: {  	_ =	shalt  }
0x85: {  	_ =	shalt  }
0x86: {  	_ =	shalt  }
0x87: {  	_ =	shalt  }
.Lfunc_end0:
.L_simem_size_0:
called_computation_lowered:
.L_overlay_start_0:
0x88: {  	s2 =	sld [smem:$0x3FD9]  }
0x89: {  	s3 =	sld [smem:$0x3FFE];
	_ =	sdelay $0x1  }
0x8a: {  	s1 =	srdreg.scid  }
0x8b: {  	s0 =	sand.u32 $0x1, s1  }
0x8c: {  	s14 =	sshll.u32 s0, $0xA;
	s2 =	sadd.s32 s3, s2  }
0x8d: {  	s2 =	sadd.s32 s2, s14  }
0x8e: {  	[smem:$0x3FBB] =	sst s2  }
0x8f: {  	_ = 	snop  }
0x90: {  	s2 =	sld [smem:$0x3FD0];
	_ =	sdelay $0x2  }
0x91: {  	s15 =	simm.s32 $0xA;
	s4 =	simm.s32 $0x10  }
0x92: {  	[smem:s4], [sflag:s15] =	dma.local [hbm:s2], $0x1  }
0x93: {  	_ =	swait.eq [sflag:s15], $0x1  }
0x94: {  	s16 =	sld [smem:$0x11];
	[sflag:s15] =	ssyncset.done $0x0  }
0x95: {  	s17 =	sld [smem:$0x12];
	[sflag:s15] =	ssyncadd.s32 $0xFFFFFFFF  }
0x96: {  	s18 =	sld [smem:$0x13];
	(tm) =	ssettm $0x1  }
0x97: {  	s5 =	sld [smem:$0x3FFB];
	_ =	sdelay $0x3  }
0x98: {  	_ =	strace s5  }
0x99: {  	s5 =	sld [smem:$0x3FFC];
	_ =	sdelay $0x3  }
0x9a: {  	_ =	strace s5  }
0x9b: {  	s5 =	sld [smem:$0x3FFD];
	_ =	sdelay $0x3  }
0x9c: {  	_ =	strace s5  }
0x9d: {  	_ =	strace $0x8FFFFFFF  }
0x9e: {  	s19 =	sld [smem:$0x3FDB];
	_ =	sdelay $0x1  }
0x9f: {  	s6 =	simm.s32 $_scs_section_size  }
0xa0: {  	s7 =	simm.s32 $_size__tile_overlayer_lowered;
	s8 =	simm.s32 $_tile_overlayer_lowered  }
0xa1: {  	s22 =	simm.s32 $0x1BFF;
	s21 =	sshll.u32 s8, $0x1;
	s5 =	sadd.s32 s6, s19  }
0xa2: {  	s9 =	simm.s32 $0x0;
	s20 =	sshll.u32 s7, $0x1;
	s7 =	sadd.s32 s21, s5  }
0xa3: {  	[timem:s9], [sflag:s22] =	dma.local [hbm:s7], s20  }
0xa4: {  	_ =	swait.ge [sflag:s22], s20  }
0xa5: {  	s6 =	ssub.s32 $0x0, s20;
	[sflag:s22] =	ssyncset.done $0x0  }
0xa6: {  	[sflag:s22] =	ssyncadd.s32 s6;
	_ =	sdelay $0x1  }
0xa7: {  	s23 =	simm.s32 $0x1B8B  }
0xa8: {  	_ =	swait.ge [sflag:s23], $0x1  }
0xa9: {  	[sflag:s23] =	ssyncset.done $0x0  }
0xaa: {  	s25 =	simm.s32 $0x1B8E;
	s24 =	sld [smem:$0x3FFE];
	[sflag:s23] =	ssyncadd.s32 $0xFFFFFFFF  }
0xab: {  	s26 =	simm.s32 $execute0_lowered;
	[smem:$0x3FD2] =	sst s25  }
0xac: {  	s7 =	sshll.u32 s26, $0x1;
	_ =	strace $0x80000046;
	[dreg:$0x1] =	wrdreg $0xFFFFFFFF  }
0xad: {  	s28 =	simm.s32 $_size_execute0_lowered;
	s5 =	sadd.s32 s5, s7;
	[dreg:$0x0] =	wrdreg $0x0  }
0xae: {  	s7 =	sshll.u32 s28, $0x1;
	[dreg:$0x2] =	wrdreg s5  }
0xaf: {  	[dreg:$0x3] =	wrdreg s7  }
0xb0: {  	[dreg:$0x4] =	wrdreg $0xC0  }
0xb1: {  	_ =	task [dreg:s9], $0x5FFFF  }
0xb2: {  	[dreg:$0x1] =	wrdreg $0xFFFFFFFF  }
0xb3: {  	[dreg:$0x0] =	wrdreg $0x60  }
0xb4: {  	[dreg:$0x2] =	wrdreg s24  }
0xb5: {  	[dreg:$0x3] =	wrdreg s16  }
0xb6: {  	[dreg:$0x4] =	wrdreg s17  }
0xb7: {  	[dreg:$0x5] =	wrdreg s18  }
0xb8: {  	[dreg:$0x6] =	wrdreg $0x9  }
0xb9: {  	_ =	task.clear_ibuf [dreg:s9], $0x7FFFF;
	_ =	strace $0x90000046  }
0xba: {  	s29 =	simm.s32 $0x9;
	_ =	strace $0x80000048  }
0xbb: {  	_ =	swait.ge [sflag:s29], $0x1  }
0xbc: {  	[sflag:s29] =	ssyncadd.s32 $0xFFFFFFFF  }
0xbd: {  	_ =	strace $0x90000048  }
0xbe: {  	_ =	sfence  }
0xbf: {  	s30 =	sld [smem:$0x0];
	_ =	sdelay $0x2  }
0xc0: {  	s31 =	sshll.u32 s1, $0xD;
	s1 =	sshrl.u32 s1, $0x2  }
0xc1: {  	s3 =	sand.u32 $0x4000, s31;
	s1 =	sadd.s32 s1, s30  }
0xc2: {  	s0 =	sor.u32 s3, s0;
	s1 =	sshll.u32 s1, $0x11  }
0xc3: {  	s0 =	sor.u32 s1, s0  }
0xc4: {  	s0 =	sadd.s32 $0x8F2B, s0  }
0xc5: {  	[sflag:s0] =	ssyncadd.remote.s32 $0x1  }
0xc6: {  	_ =	sfence.sel $0xFFFF  }
0xc7: {  	[dreg:$0x0] =	wrdreg $0xFFFFFFFF;
	(pc) =	sbr.abs _section_cstart, $3  }
0xc8: {  	[dreg:$0x1] =	wrdreg $0xFFFFFFFF  }
0xc9: {  	_ =	task.clear_ibuf [dreg:s9], $0x2FFFF;
	_ =	strace $0x9FFFFFFF  }
0xca: {  	(tm) =	ssettm $0x7FFFFFFF  }
0xcb: {  	_ =	shalt  }
tec
execute0_lowered:
.L_overlay_start_1:
0x0: {  	(tag) =	ssettag $0x1  }
0x1: {  	s5 =	rddreg [dreg:$0x0]  }
0x2: {  	s1 =	srdreg.scid;
	s11 =	rddreg [dreg:$0x1]  }
0x3: {  	s0 =	stileid.u32;
	s2 =	rddreg [dreg:$0x2]  }
0x4: {  	s9 =	rddreg [dreg:$0x3];
	s3 =	simm.s32 $0x0;
	s16 =	simm.s32 $0x19800  }
0x5: {  	s17 =	simm.s32 $0x1BA00;
	s18 =	simm.s32 $0x0;
	s7 =	sand.u32 $0x1, s1  }
0x6: {  	s25 =	simm.s32 $0x1;
	[smem:$0x7FF] =	sst s3;
	s1 =	sor.u32 s7, s0  }
0x7: {  	p1 =	seq.s32 s7, $0x1;
	s13 =	ssub.s32 $0x2, s7;
	p0 =	seq.s32 s1, $0x0  }
0x8: {  	s28 =	sshll.u32 s7, $0x7;
	s7 =	sshll.u32 s7, $0xD;
	p0 =	por !p0, !p1  }
0x9: {  	s1 =	simm.s32 $0x1;
	s14 =	sshrl.u32 s13, $0x1;
	p0 =	por !p0, !p0  }
0xa: {  	s13 =	ssub.s32 s13, s14;
	s14 =	simm.s32 $0x1B800;
	s1 =	simm.s32 @!p0 $0x0  }
0xb: {  	s8 =	ssub.s32 s0, s1;
	s1 =	rddreg [dreg:$0x4];
	_ =	strace $0x80000047  }
0xc: {  	s10 =	sshrl.u32 s8, $0x3;
	s4 =	sshll.u32 s8, $0x7;
	s8 =	sshll.u32 s8, $0x8  }
0xd: {  	s6 =	smul.u32 $0xC8000, s10;
	s12 =	sand.u32 $0x380, s4;
	s4 =	simm.s32 $0x1  }
0xe: {  	s15 =	sshll.u32 s10, $0x11;
	s8 =	sor.u32 s28, s8;
	s10 =	sshll.u32 s10, $0x13  }
0xf: {  	s29 =	sor.u32 s12, s15;
	s30 =	sshrl.u32 s8, $0x3;
	s8 =	sor.u32 s12, s10  }
0x10: {  	v0 =	vlaneseq.u32;
	s10 =	smax.u32 s13, $0x1;
	s13 =	simm.s32 $0x400;
	s6 =	sor.u32 s12, s6  }
0x11: {  	v0 =	vmul.u32 $0x4, v0;
	s15 =	simm.s32 $0x19000;
	s9 =	sadd.s32 s9, s30;
	s6 =	sshrl.u32 s6, $0x3  }
0x12: {  	s31 =	sshrl.u32 s29, $0x3;
	s12 =	simm.s32 $0x80;
	s6 =	sadd.s32 s6, s5  }
0x13: {  	[tilespmem:$0x1FFF0] =	vst v0;
	s11 =	sadd.s32 s11, s31;
	s5 =	sadd.s32 $0xB4C00, s5;
	s6 =	sadd.s32 $0x82C00, s6  }
.LBB2_1:
0x14: {  	[tilespmem:s3], [sflag:$0x1] =	stream.strided.gather [hbm4b:s6+s12], $0x19000, s13, s12, $0x38;
	[tilespmem:$0x1BA80] =	vst v63  }
0x15: {  	_ =	swait.ge [sflag:s4], $0x19000  }
0x16: {  	[sflag:s4] =	ssyncset.done $0x0  }
0x17: {  	v0 =	vimm.s32 $0x180;
	[sflag:s4] =	ssyncadd.s32 $0xFFFE7000  }
0x18: {  	[tilespmem:s14], [sflag:$0x1] =	stream.linear.gather [hbm4b:s2+s3], $0x200, $0x38;
	[tilespmem:$0x1BA80] =	vst v63  }
0x19: {  	_ =	swait.ge [sflag:s4], $0x200  }
0x1a: {  	[sflag:s4] =	ssyncset.done $0x0  }
0x1b: {  	[sflag:s4] =	ssyncadd.s32 $0xFFFFFE00  }
0x1c: {  	v0 =	vld.idx.msk [tilespmem:v0+s14+$0x0], $0xffff;
	_ =	sdelay $0x4  }
0x1d: {  	[tilespmem:$0x1FFC0] =	vst v0;
	v0 =	vimm.s32 $0x181;
	_ =	sdelay $0x4  }
0x1e: {  	v0 =	vld.idx.msk [tilespmem:v0+s14+$0x0], $0xffff;
	_ =	sdelay $0x4  }
0x1f: {  	[tilespmem:$0x1FFD0] =	vst v0;
	v0 =	vimm.s32 $0x182;
	_ =	sdelay $0x4  }
0x20: {  	v0 =	vld.idx.msk [tilespmem:v0+s14+$0x0], $0xffff;
	_ =	sdelay $0x4  }
0x21: {  	s19 =	simm.s32 $0x0;
	[tilespmem:$0x1FFE0] =	vst v0;
	v0 =	vimm.f32 $0.0e+00  }
.LBB2_2:
0x22: {  	s20 =	sshll.u32 s19, $0xB  }
0x23: {  	s20 =	sadd.s32 s7, s20  }
0x24: {  	s21 =	sadd.s32 s11, s20  }
0x25: {  	[tilespmem:s15], [sflag:$0x1] =	stream.strided.gather [hbm4b:s21+s12], $0x800, s13, s12, $0x38;
	[tilespmem:$0x1BA80] =	vst v63  }
0x26: {  	_ =	swait.ge [sflag:s4], $0x800  }
0x27: {  	[sflag:s4] =	ssyncset.done $0x0  }
0x28: {  	s22 =	simm.s32 $0x0;
	s21 =	simm.s32 $0x0;
	[sflag:s4] =	ssyncadd.s32 $0xFFFFF800  }
.LBB2_3:
0x29: {  	s23 =	sshll.u32 s22, $0x9  }
0x2a: {  	s24 =	sshrl.u32 s23, $0x2  }
0x2b: {  	v1 =	vld [tilespmem:s24+$0x19000]  }
0x2c: {  	v3 =	vld [tilespmem:s24+$0x19010]  }
0x2d: {  	v5 =	vld [tilespmem:s24+$0x19020]  }
0x2e: {  	v4 =	vld [tilespmem:s24+$0x19030]  }
0x2f: {  	v6 =	vld [tilespmem:s24+$0x19040];
	_ =	sdelay $0x1  }
0x30: {  	[tilespmem:$0x1FEA0] =	vst v0  }
0x31: {  	v0 =	vshrl.u32 v1, $0x1;
	[tilespmem:$0x1FEB0] =	vst v1;
	v1 =	vshrl.u32 v1, $0xA;
	v7 =	vshrl.u32 v3, $0xA  }
0x32: {  	v9 =	vshrl.u32 v5, $0xA;
	v11 =	vshrl.u32 v4, $0xA;
	v1 =	vmul.u32 $0xC8, v1  }
0x33: {  	[tilespmem:$0x1FED0] =	vst v3;
	v14 =	vshrl.u32 v6, $0xA;
	v2 =	vand.u32 $0x1FF, v0;
	v7 =	vmul.u32 $0xC8, v7  }
0x34: {  	[tilespmem:$0x1FEF0] =	vst v5;
	v0 =	vshrl.u32 v3, $0x1;
	v9 =	vmul.u32 $0xC8, v9;
	v11 =	vmul.u32 $0xC8, v11  }
0x35: {  	v18 =	vld [tilespmem:s24+$0x19050];
	v14 =	vmul.u32 $0xC8, v14;
	[tilespmem:$0x1FEC0] =	vst v2;
	v3 =	vand.u32 $0x1FF, v0;
	v0 =	vshrl.u32 v5, $0x1  }
0x36: {  	v2 =	vmul.u32 $0xC8, v2;
	v5 =	vld [tilespmem:s24+$0x19060];
	[tilespmem:$0x1FEE0] =	vst v3;
	v8 =	vmul.u32 $0xC8, v3;
	v3 =	vand.u32 $0x1FF, v0  }
0x37: {  	v43 =	vmov s21;
	v0 =	vshrl.u32 v4, $0x1;
	[tilespmem:$0x1FF00] =	vst v3;
	v10 =	vmul.u32 $0xC8, v3;
	v3 =	vld [tilespmem:s24+$0x19070]  }
0x38: {  	[tilespmem:$0x1FF10] =	vst v4;
	v2 =	vadd.s32 $0x64, v2;
	v4 =	vand.u32 $0x1FF, v0;
	v0 =	vshrl.u32 v6, $0x1;
	v13 =	vld.idx.msk [tilespmem:v1+s3+$0x0], $0xffff  }
0x39: {  	v8 =	vadd.s32 $0x64, v8;
	[tilespmem:$0x1FF20] =	vst v4;
	v12 =	vmul.u32 $0xC8, v4;
	v4 =	vand.u32 $0x1FF, v0;
	v17 =	vld.idx.msk [tilespmem:v7+s3+$0x0], $0xffff  }
0x3a: {  	[tilespmem:$0x1FF50] =	vst v18;
	v0 =	vshrl.u32 v18, $0x1;
	v18 =	vshrl.u32 v18, $0xA;
	v10 =	vadd.s32 $0x64, v10;
	v29 =	vld.idx.msk [tilespmem:v9+s3+$0x0], $0xffff  }
0x3b: {  	v23 =	vimm.f32 $0.0e+00;
	v18 =	vmul.u32 $0xC8, v18;
	v12 =	vadd.s32 $0x64, v12;
	v34 =	vld.idx.msk [tilespmem:v11+s3+$0x0], $0xffff  }
0x3c: {  	v46 =	vor.u32 $0x80, v43;
	[tilespmem:$0x1FF40] =	vst v4;
	v16 =	vmul.u32 $0xC8, v4;
	v4 =	vand.u32 $0x1FF, v0;
	v37 =	vld.idx.msk [tilespmem:v14+s3+$0x0], $0xffff  }
0x3d: {  	v47 =	vor.u32 $0x100, v43;
	v27 =	vadd.s32 $0x1, v7;
	v24 =	vmul.u32 $0xC8, v4;
	v15 =	vld.idx.msk [tilespmem:v2+s3+$0x0], $0xffff  }
0x3e: {  	v0 =	vshrl.u32 v5, $0x1;
	v25 =	vshrl.u32 v5, $0xA;
	v16 =	vadd.s32 $0x64, v16;
	v19 =	vld.idx.msk [tilespmem:v8+s3+$0x0], $0xffff  }
0x3f: {  	[tilespmem:$0x1FF60] =	vst v4;
	v4 =	vand.u32 $0x1FF, v0;
	v0 =	vshrl.u32 v3, $0x1;
	v32 =	vadd.s32 $0x64, v24;
	v31 =	vld.idx.msk [tilespmem:v10+s3+$0x0], $0xffff  }
0x40: {  	v42 =	vmul.u32 $0xC8, v25;
	[tilespmem:$0x1FF90] =	vst v3;
	v25 =	vshrl.u32 v3, $0xA;
	v3 =	vand.u32 $0x1FF, v0;
	v0 =	vld.idx.msk [tilespmem:v12+s3+$0x0], $0xffff  }
0x41: {  	v30 =	vadd.s32 $0x1, v9;
	v35 =	vadd.s32 $0x1, v11;
	v24 =	vmul.u32 $0xC8, v4;
	v41 =	vld.idx.msk [tilespmem:v18+s3+$0x0], $0xffff  }
0x42: {  	v38 =	vadd.s32 $0x1, v14;
	v26 =	vadd.s32 $0x1, v2;
	v36 =	vadd.s32 $0x1, v12;
	v12 =	vld.idx.msk [tilespmem:v43+s14+$0x0], $0xffff  }
0x43: {  	v28 =	vadd.s32 $0x1, v8;
	v33 =	vadd.s32 $0x1, v10;
	v49 =	vadd.s32 $0x64, v24;
	v39 =	vld.idx.msk [tilespmem:v16+s3+$0x0], $0xffff  }
0x44: {  	v40 =	vadd.s32 $0x1, v16;
	v53 =	vmul.u32 $0xC8, v25;
	v25 =	vadd.s32 $0x1, v1;
	v44 =	vld.idx.msk [tilespmem:v32+s3+$0x0], $0xffff  }
0x45: {  	v55 =	vadd.s32 $0x1, v32;
	v24 =	vmul.u32 $0xC8, v3;
	v7 =	vadd.f32 v15, v13;
	v13 =	vld.idx.msk [tilespmem:v46+s14+$0x0], $0xffff  }
0x46: {  	v59 =	vadd.s32 $0x1, v42;
	v10 =	vld.idx.msk [tilespmem:v47+s14+$0x0], $0xffff;
	v43 =	vadd.s32 $0x1, v18;
	v60 =	vadd.s32 $0x1, v49  }
0x47: {  	v56 =	vadd.s32 $0x64, v24;
	v45 =	vld.idx.msk [tilespmem:v42+s3+$0x0], $0xffff;
	v8 =	vadd.f32 v19, v17;
	v9 =	vadd.f32 v31, v29  }
0x48: {  	v61 =	vadd.s32 $0x1, v53;
	v48 =	vld.idx.msk [tilespmem:v49+s3+$0x0], $0xffff;
	v7 =	vmax.f32 v7, $0.0e+00;
	v0 =	vadd.f32 v0, v34  }
0x49: {  	v8 =	vmax.f32 v8, $0.0e+00;
	v11 =	vadd.f32 v39, v37;
	v16 =	vmax.f32 v9, $0.0e+00  }
0x4a: {  	v17 =	vmul.f32 v8, v12;
	v14 =	vadd.f32 v44, v41;
	v19 =	vmul.f32 v16, v13  }
0x4b: {  	v1 =	vld.idx.msk [tilespmem:v53+s3+$0x0], $0xffff;
	v0 =	vmax.f32 v0, $0.0e+00;
	v44 =	vmul.f32 v16, v10;
	v16 =	vmul.f32 v16, v12  }
0x4c: {  	v2 =	vld.idx.msk [tilespmem:v56+s3+$0x0], $0xffff;
	v11 =	vmax.f32 v11, $0.0e+00;
	v47 =	vmul.f32 v0, v10;
	v49 =	vadd.f32 v17, v23  }
0x4d: {  	v15 =	vadd.f32 v48, v45;
	v14 =	vmax.f32 v14, $0.0e+00;
	v45 =	vmul.f32 v0, v13  }
0x4e: {  	[tilespmem:$0x1FFA0] =	vst v3;
	v32 =	vmul.f32 v11, v13;
	v52 =	vmul.f32 v11, v10;
	v3 =	vadd.f32 v19, v23  }
0x4f: {  	v44 =	vadd.f32 v44, v23;
	v20 =	vmul.f32 v11, v12;
	v54 =	vmul.f32 v14, v13  }
0x50: {  	v34 =	vld.idx.msk [tilespmem:v25+s3+$0x0], $0xffff;
	v53 =	vadd.f32 v16, v23;
	v57 =	vmul.f32 v14, v10;
	v21 =	vmul.f32 v14, v12  }
0x51: {  	v37 =	vld.idx.msk [tilespmem:v27+s3+$0x0], $0xffff;
	v50 =	vadd.f32 v47, v23;
	v1 =	vadd.f32 v2, v1;
	v2 =	vmul.f32 v7, v12  }
0x52: {  	[tilespmem:$0x1FF30] =	vst v6;
	v17 =	vld.idx.msk [tilespmem:v55+s3+$0x0], $0xffff;
	v15 =	vmax.f32 v15, $0.0e+00;
	v46 =	vadd.f32 v45, v23;
	v51 =	vadd.f32 v32, v23  }
0x53: {  	v11 =	vld.idx.msk [tilespmem:v35+s3+$0x0], $0xffff;
	v47 =	vadd.f32 v52, v23;
	v58 =	vmul.f32 v15, v13;
	v19 =	vmul.f32 v15, v10  }
0x54: {  	[tilespmem:$0x1FF70] =	vst v5;
	v16 =	vld.idx.msk [tilespmem:v43+s3+$0x0], $0xffff;
	v42 =	vadd.f32 v54, v23;
	v18 =	vmax.f32 v1, $0.0e+00;
	v1 =	vmul.f32 v7, v10  }
0x55: {  	v14 =	vld.idx.msk [tilespmem:v38+s3+$0x0], $0xffff;
	v24 =	vadd.f32 v2, v23;
	v2 =	vmul.f32 v7, v13;
	v7 =	vmul.f32 v8, v13  }
0x56: {  	v48 =	vadd.f32 v57, v23;
	v8 =	vmul.f32 v8, v10;
	v9 =	vmul.f32 v18, v10;
	v10 =	vld.idx.msk [tilespmem:v33+s3+$0x0], $0xffff  }
0x57: {  	v57 =	vadd.f32 v20, v23;
	v63 =	vmul.f32 v18, v13;
	v13 =	vld.idx.msk [tilespmem:v36+s3+$0x0], $0xffff;
	v45 =	vadd.f32 v58, v23  }
0x58: {  	v0 =	vmul.f32 v0, v12;
	v52 =	vadd.f32 v19, v23;
	v41 =	vadd.f32 v1, v23;
	v1 =	vld.idx.msk [tilespmem:v26+s3+$0x0], $0xffff  }
0x59: {  	[tilespmem:$0x1FF80] =	vst v4;
	v58 =	vadd.f32 v21, v23;
	v19 =	vmov s25;
	v39 =	vadd.f32 v8, v23;
	v8 =	vld.idx.msk [tilespmem:v28+s3+$0x0], $0xffff  }
0x5a: {  	v29 =	vadd.f32 v2, v23;
	v62 =	vadd.f32 v7, v23;
	v7 =	vmul.f32 v15, v12;
	v15 =	vld.idx.msk [tilespmem:v40+s3+$0x0], $0xffff  }
0x5b: {  	v12 =	vmul.f32 v18, v12;
	v18 =	vld.idx.msk [tilespmem:v59+s3+$0x0], $0xffff;
	v31 =	vadd.f32 v9, v23;
	v54 =	vadd.f32 v63, v23  }
0x5c: {  	s24 =	simm.s32 $0x2;
	[tilespmem:$0x1FFB0] =	vst v3;
	v9 =	vld.idx.msk [tilespmem:v30+s3+$0x0], $0xffff;
	v63 =	vadd.s32 $0x1, v56;
	v56 =	vadd.f32 v0, v23;
	v0 =	vimm.f32 $0.0e+00  }
.LBB2_4:
0x5d: {  	v20 =	vor.u32 $0x80, v19;
	v21 =	vor.u32 $0x100, v19  }
0x5e: {  	v25 =	vadd.s32 $0x1, v25;
	v26 =	vadd.s32 $0x1, v26;
	v27 =	vadd.s32 $0x1, v27  }
0x5f: {  	v22 =	vld.idx.msk [tilespmem:v60+s3+$0x0], $0xffff;
	v28 =	vadd.s32 $0x1, v28;
	v30 =	vadd.s32 $0x1, v30;
	v33 =	vadd.s32 $0x1, v33  }
0x60: {  	v35 =	vadd.s32 $0x1, v35;
	v36 =	vadd.s32 $0x1, v36;
	v23 =	vadd.f32 v7, v23;
	v7 =	vld.idx.msk [tilespmem:v61+s3+$0x0], $0xffff  }
0x61: {  	v38 =	vadd.s32 $0x1, v38;
	v0 =	vadd.f32 v12, v0;
	v12 =	vld.idx.msk [tilespmem:v63+s3+$0x0], $0xffff;
	v1 =	vadd.f32 v1, v34  }
0x62: {  	v19 =	vld.idx.msk [tilespmem:v19+s14+$0x0], $0xffff;
	v40 =	vadd.s32 $0x1, v40;
	v2 =	vadd.f32 v8, v37;
	v8 =	vadd.f32 v10, v9  }
0x63: {  	v43 =	vadd.s32 $0x1, v43;
	v10 =	vadd.f32 v13, v11;
	v11 =	vadd.f32 v15, v14;
	v21 =	vld.idx.msk [tilespmem:v21+s14+$0x0], $0xffff  }
0x64: {  	v55 =	vadd.s32 $0x1, v55;
	v13 =	vadd.f32 v17, v16;
	v9 =	vld.idx.msk [tilespmem:v20+s14+$0x0], $0xffff;
	v14 =	vadd.f32 v22, v18  }
0x65: {  	v1 =	vmax.f32 v1, $0.0e+00;
	v2 =	vmax.f32 v2, $0.0e+00;
	v15 =	vmax.f32 v8, $0.0e+00  }
0x66: {  	v7 =	vadd.f32 v12, v7;
	v10 =	vmax.f32 v10, $0.0e+00;
	v11 =	vmax.f32 v11, $0.0e+00  }
0x67: {  	v12 =	vmax.f32 v13, $0.0e+00;
	v8 =	vmul.f32 v1, v19;
	v17 =	vmul.f32 v2, v19  }
0x68: {  	v3 =	vmul.f32 v15, v19;
	v13 =	vmax.f32 v7, $0.0e+00;
	v7 =	vmul.f32 v1, v21  }
0x69: {  	v14 =	vmax.f32 v14, $0.0e+00;
	v16 =	vmul.f32 v13, v21;
	v1 =	vmul.f32 v1, v9  }
0x6a: {  	v24 =	vadd.f32 v8, v24;
	v8 =	vmul.f32 v2, v9;
	v18 =	vmul.f32 v2, v21  }
0x6b: {  	v37 =	vld.idx.msk [tilespmem:v27+s3+$0x0], $0xffff;
	v49 =	vadd.f32 v17, v49;
	v20 =	vmul.f32 v15, v9;
	v22 =	vmul.f32 v10, v9  }
0x6c: {  	v53 =	vadd.f32 v3, v53;
	v4 =	vmul.f32 v11, v21;
	v5 =	vmul.f32 v12, v9;
	v2 =	vld [tilespmem:$0x1FFB0]  }
0x6d: {  	v17 =	vld.idx.msk [tilespmem:v55+s3+$0x0], $0xffff;
	v6 =	vmul.f32 v14, v9;
	v34 =	vadd.f32 v16, v31;
	v32 =	vadd.f32 v1, v29  }
0x6e: {  	v16 =	vmul.f32 v15, v21;
	v1 =	vld.idx.msk [tilespmem:v25+s3+$0x0], $0xffff;
	v41 =	vadd.f32 v7, v41;
	v7 =	vmul.f32 v10, v21  }
0x6f: {  	v59 =	vadd.s32 $0x1, v59;
	v29 =	vmovc v23;
	v23 =	vmul.f32 v11, v9;
	v62 =	vadd.f32 v8, v62;
	v8 =	vld.idx.msk [tilespmem:v28+s3+$0x0], $0xffff  }
0x70: {  	v60 =	vadd.s32 $0x1, v60;
	v39 =	vadd.f32 v18, v39;
	v31 =	vmovc v24;
	v24 =	vmul.f32 v10, v19;
	v10 =	vld.idx.msk [tilespmem:v33+s3+$0x0], $0xffff  }
0x71: {  	v46 =	vadd.f32 v22, v46;
	v22 =	vmul.f32 v11, v19;
	v11 =	vld.idx.msk [tilespmem:v35+s3+$0x0], $0xffff;
	v2 =	vadd.f32 v20, v2  }
0x72: {  	v18 =	vmul.f32 v12, v21;
	v47 =	vadd.f32 v4, v47;
	v42 =	vadd.f32 v5, v42;
	v15 =	vld.idx.msk [tilespmem:v40+s3+$0x0], $0xffff  }
0x73: {  	v61 =	vadd.s32 $0x1, v61;
	v45 =	vadd.f32 v6, v45;
	v44 =	vadd.f32 v16, v44;
	v16 =	vld.idx.msk [tilespmem:v43+s3+$0x0], $0xffff  }
0x74: {  	p0 =	sne.s32 s24, $0x63;
	v48 =	vadd.f32 v18, v48;
	v18 =	vld.idx.msk [tilespmem:v59+s3+$0x0], $0xffff;
	v20 =	vmul.f32 v14, v21;
	v21 =	vmul.f32 v13, v9  }
.Ltmp0:
0x75: {  	v63 =	vadd.s32 $0x1, v63;
	v9 =	vld.idx.msk [tilespmem:v30+s3+$0x0], $0xffff;
	[tilespmem:$0x1FFB0] =	vst v2;
	v2 =	vmovc v39;
	v39 =	vmov v62;
	v62 =	vmul.f32 v12, v19;
	(pc) =	sbr.rel @p0 .LBB2_4-.Ltmp0, $4  }
0x76: {  	v50 =	vadd.f32 v7, v50;
	v7 =	vmul.f32 v14, v19;
	v51 =	vadd.f32 v23, v51;
	v14 =	vld.idx.msk [tilespmem:v38+s3+$0x0], $0xffff  }
0x77: {  	v56 =	vadd.f32 v24, v56;
	v57 =	vadd.f32 v22, v57;
	v23 =	vmov v29;
	[tilespmem:$0x1FE90] =	vst v1;
	v1 =	vld.idx.msk [tilespmem:v26+s3+$0x0], $0xffff  }
0x78: {  	v29 =	vmovc v32;
	v24 =	vmovc v31;
	v31 =	vmov v34;
	v52 =	vadd.f32 v20, v52;
	v54 =	vadd.f32 v21, v54;
	v34 =	vld [tilespmem:$0x1FE90]  }
0x79: {  	v12 =	vmul.f32 v13, v19;
	v13 =	vld.idx.msk [tilespmem:v36+s3+$0x0], $0xffff;
	v19 =	vmov s24;
	s24 =	sadd.s32 $0x1, s24;
	v58 =	vadd.f32 v62, v58;
	v62 =	vmovc v39;
	v39 =	vmovc v2  }
0x7a: {  	_ =	sdelay $0x3  }
0x7b: {  	v3 =	vor.u32 $0x100, v19;
	v5 =	vld.idx.msk [tilespmem:v60+s3+$0x0], $0xffff  }
0x7c: {  	v4 =	vor.u32 $0x80, v19;
	v6 =	vld.idx.msk [tilespmem:v61+s3+$0x0], $0xffff  }
0x7d: {  	v20 =	vld.idx.msk [tilespmem:v63+s3+$0x0], $0xffff  }
0x7e: {  	v2 =	vadd.f32 v8, v37;
	v32 =	vadd.f32 v10, v9;
	v30 =	vld [tilespmem:$0x1FF10]  }
0x7f: {  	v12 =	vadd.f32 v12, v0;
	v0 =	vadd.f32 v1, v34;
	v1 =	vld.idx.msk [tilespmem:v19+s14+$0x0], $0xffff  }
0x80: {  	v7 =	vadd.f32 v7, v23;
	v35 =	vadd.f32 v17, v16;
	v2 =	vmax.f32 v2, $0.0e+00;
	v3 =	vld.idx.msk [tilespmem:v3+s14+$0x0], $0xffff  }
0x81: {  	v8 =	vmax.f32 v32, $0.0e+00;
	v34 =	vadd.f32 v15, v14;
	v33 =	vadd.f32 v13, v11;
	v4 =	vld.idx.msk [tilespmem:v4+s14+$0x0], $0xffff  }
0x82: {  	v11 =	vmax.f32 v35, $0.0e+00;
	v0 =	vmax.f32 v0, $0.0e+00;
	v6 =	vadd.f32 v20, v6  }
0x83: {  	v32 =	vld [tilespmem:$0x1FF30];
	v5 =	vadd.f32 v5, v18;
	v10 =	vmax.f32 v34, $0.0e+00;
	v30 =	vand.u32 $0x1, v30  }
0x84: {  	v6 =	vmax.f32 v6, $0.0e+00;
	v36 =	vmul.f32 v0, v1;
	v37 =	vmul.f32 v2, v1  }
0x85: {  	v9 =	vmax.f32 v33, $0.0e+00;
	v38 =	vmul.f32 v0, v3;
	v40 =	vmul.f32 v6, v3  }
0x86: {  	vm11 =	veq.s32 v30, $0x0;
	v0 =	vmul.f32 v0, v4;
	v43 =	vmul.f32 v2, v4  }
0x87: {  	v22 =	vld [tilespmem:$0x1FFB0];
	v5 =	vmax.f32 v5, $0.0e+00;
	v2 =	vmul.f32 v2, v3;
	v55 =	vmul.f32 v8, v4  }
0x88: {  	v32 =	vand.u32 $0x1, v32;
	v60 =	vmul.f32 v9, v4;
	v61 =	vmul.f32 v9, v3  }
0x89: {  	v13 =	vadd.f32 v36, v24;
	v21 =	vmul.f32 v10, v4;
	v25 =	vmul.f32 v11, v3  }
0x8a: {  	v26 =	vmul.f32 v5, v4;
	v24 =	vadd.f32 v40, v31;
	v59 =	vadd.f32 v0, v29  }
0x8b: {  	v9 =	vmul.f32 v9, v1;
	v15 =	vadd.f32 v38, v41;
	v17 =	vadd.f32 v43, v62  }
0x8c: {  	v0 =	vmul.f32 v8, v3;
	v2 =	vadd.f32 v2, v39;
	v16 =	vadd.f32 v55, v22  }
0x8d: {  	v62 =	vmul.f32 v10, v3;
	v19 =	vadd.f32 v60, v46;
	v20 =	vadd.f32 v61, v50  }
0x8e: {  	v33 =	vld [tilespmem:$0x1FF50];
	v21 =	vadd.f32 v21, v51;
	v3 =	vmul.f32 v5, v3;
	v8 =	vmul.f32 v8, v1  }
0x8f: {  	v10 =	vmul.f32 v10, v1;
	v29 =	vadd.f32 v25, v48;
	v50 =	vld [tilespmem:$0x1FED0];
	v23 =	vadd.f32 v0, v44  }
0x90: {  	v51 =	vld [tilespmem:$0x1FEF0];
	v0 =	vmul.f32 v11, v4;
	v22 =	vadd.f32 v62, v47;
	v11 =	vmul.f32 v11, v1  }
0x91: {  	v48 =	vld [tilespmem:$0x1FFC0];
	v27 =	vadd.f32 v3, v52;
	v3 =	vmul.f32 v5, v1;
	v1 =	vmul.f32 v6, v1  }
0x92: {  	v4 =	vmul.f32 v6, v4;
	v5 =	vadd.f32 v37, v49;
	v47 =	vld [tilespmem:$0x1FFF0];
	v28 =	vadd.f32 v0, v42  }
0x93: {  	v34 =	vcvt.s32.f32 v32;
	v0 =	vadd.f32 v26, v45;
	v26 =	vadd.f32 v1, v12;
	v1 =	vld [tilespmem:$0x1FEB0]  }
0x94: {  	vm12 =	veq.s32 v32, $0x0;
	v6 =	vadd.f32 v9, v56;
	v25 =	vadd.f32 v4, v54  }
0x95: {  	v33 =	vand.u32 $0x1, v33;
	v4 =	vadd.f32 v8, v53;
	v8 =	vadd.f32 v10, v57  }
0x96: {  	v31 =	vcvt.s32.f32 v30;
	v9 =	vadd.f32 v11, v58;
	v3 =	vadd.f32 v3, v7  }
0x97: {  	v49 =	vld [tilespmem:$0x1FFD0];
	v10 =	vand.u32 $0x1, v50;
	v11 =	vand.u32 $0x1, v51;
	v13 =	vadd.f32 v13, v48  }
0x98: {  	v50 =	vld [tilespmem:$0x1FFE0];
	v5 =	vadd.f32 v5, v48;
	v54 =	vor.u32 s23, v47;
	v1 =	vand.u32 $0x1, v1  }
0x99: {  	v53 =	vld [tilespmem:$0x1FEC0];
	v63 =	vcvt.s32.f32 v1;
	vm0 =	veq.s32 v1, $0x0;
	v1 =	vor.u32 $0x1, v47  }
0x9a: {  	v52 =	vcvt.s32.f32 v10;
	v41 =	vor.u32 $0x2, v47;
	v40 =	vor.u32 s23, v1  }
0x9b: {  	v14 =	vcvt.s32.f32 v11;
	v42 =	vor.u32 $0x3, v47;
	v56 =	vor.u32 s23, v41  }
0x9c: {  	s24 =	sor.u32 $0x40, s23;
	v62 =	vld [tilespmem:$0x1FEE0];
	v18 =	vadd.f32 v59, v49;
	v17 =	vadd.f32 v17, v49;
	v43 =	vor.u32 s23, v42  }
0x9d: {  	v58 =	vor.u32 s24, v47;
	v44 =	vor.u32 $0x41, v47;
	v15 =	vadd.f32 v15, v50  }
0x9e: {  	v45 =	vor.u32 $0x42, v47;
	v60 =	vor.u32 s24, v44;
	v37 =	vcvt.s32.f32 v53;
	[tilespmem:v54+s16+$0x0] =	vst.idx.msk $0xffff, v13  }
0x9f: {  	v61 =	vor.u32 s24, v45;
	v38 =	vmax.f32 v18, v15;
	[tilespmem:v40+s16+$0x0] =	vst.idx.msk $0xffff, v18;
	v40 =	vor.u32 $0x43, v47  }
0xa0: {  	s31 =	sor.u32 $0x80, s23;
	v7 =	vmul.f32 v37, v63;
	v55 =	vsel vm0, $0xF149F2CA, v38;
	[tilespmem:v56+s16+$0x0] =	vst.idx.msk $0xffff, v15;
	v63 =	vor.u32 s24, v40  }
0xa1: {  	v57 =	vld [tilespmem:$0x1FEA0];
	v46 =	vcvt.s32.f32 v62;
	v2 =	vadd.f32 v2, v50;
	[tilespmem:v43+s16+$0x0] =	vst.idx.msk $0xffff, v55;
	v43 =	vor.u32 s31, v47  }
0xa2: {  	vm9 =	veq.s32 v10, $0x0;
	v4 =	vadd.f32 v4, v48;
	v51 =	vor.u32 s31, v1;
	[tilespmem:v58+s16+$0x0] =	vst.idx.msk $0xffff, v5  }
0xa3: {  	v12 =	vmul.f32 v46, v52;
	v52 =	vld [tilespmem:$0x1FF00];
	v53 =	vor.u32 s31, v41;
	v59 =	vmax.f32 v17, v2;
	[tilespmem:v60+s16+$0x0] =	vst.idx.msk $0xffff, v17  }
0xa4: {  	s26 =	sor.u32 $0xC0, s23;
	vm10 =	veq.s32 v11, $0x0;
	v54 =	vor.u32 s31, v42;
	v13 =	vsel vm9, $0xF149F2CA, v59;
	[tilespmem:v61+s16+$0x0] =	vst.idx.msk $0xffff, v2  }
0xa5: {  	v16 =	vadd.f32 v16, v49;
	v46 =	vadd.f32 v23, v50;
	v55 =	vor.u32 s26, v47;
	[tilespmem:v63+s16+$0x0] =	vst.idx.msk $0xffff, v13  }
0xa6: {  	v8 =	vadd.f32 v8, v48;
	v7 =	vmax.f32 v57, v7;
	v57 =	vor.u32 s26, v44;
	[tilespmem:v43+s16+$0x0] =	vst.idx.msk $0xffff, v4  }
0xa7: {  	v62 =	vadd.f32 v6, v48;
	v2 =	vmax.f32 v16, v46;
	v61 =	vor.u32 s26, v45;
	[tilespmem:v51+s16+$0x0] =	vst.idx.msk $0xffff, v16  }
0xa8: {  	s28 =	sor.u32 $0x100, s23;
	v23 =	vcvt.s32.f32 v52;
	v2 =	vsel vm10, $0xF149F2CA, v2;
	v16 =	vor.u32 s26, v40;
	[tilespmem:v53+s16+$0x0] =	vst.idx.msk $0xffff, v46  }
0xa9: {  	v59 =	vadd.f32 v19, v49;
	v58 =	vld [tilespmem:$0x1FF20];
	v60 =	vadd.f32 v20, v50;
	v17 =	vor.u32 s28, v47;
	[tilespmem:v54+s16+$0x0] =	vst.idx.msk $0xffff, v2  }
0xaa: {  	v39 =	vadd.f32 v9, v48;
	v14 =	vmul.f32 v23, v14;
	v18 =	vor.u32 s28, v1;
	v23 =	vld [tilespmem:$0x1FF40];
	[tilespmem:v55+s16+$0x0] =	vst.idx.msk $0xffff, v62  }
0xab: {  	v19 =	vadd.f32 v21, v49;
	v21 =	vor.u32 s28, v41;
	v2 =	vmax.f32 v59, v60;
	[tilespmem:v57+s16+$0x0] =	vst.idx.msk $0xffff, v59  }
0xac: {  	s29 =	sor.u32 $0x140, s23;
	v36 =	vld [tilespmem:$0x1FF70];
	v20 =	vadd.f32 v22, v50;
	v22 =	vor.u32 s28, v42;
	v2 =	vsel vm11, $0xF149F2CA, v2;
	[tilespmem:v61+s16+$0x0] =	vst.idx.msk $0xffff, v60  }
0xad: {  	v30 =	vor.u32 s29, v47;
	v32 =	vor.u32 s29, v44;
	v37 =	vadd.f32 v29, v50;
	[tilespmem:v16+s16+$0x0] =	vst.idx.msk $0xffff, v2  }
0xae: {  	v38 =	vor.u32 s29, v45;
	v52 =	vld [tilespmem:$0x1FF60];
	v7 =	vmax.f32 v7, v12;
	v13 =	vcvt.s32.f32 v58;
	[tilespmem:v17+s16+$0x0] =	vst.idx.msk $0xffff, v8  }
0xaf: {  	v56 =	vmax.f32 v7, v14;
	v14 =	vcvt.s32.f32 v23;
	v2 =	vmax.f32 v19, v20;
	[tilespmem:v18+s16+$0x0] =	vst.idx.msk $0xffff, v19  }
0xb0: {  	v43 =	vor.u32 s29, v40;
	v63 =	vmul.f32 v13, v31;
	v2 =	vsel vm12, $0xF149F2CA, v2;
	[tilespmem:v21+s16+$0x0] =	vst.idx.msk $0xffff, v20  }
0xb1: {  	v36 =	vand.u32 $0x1, v36;
	v31 =	vmul.f32 v14, v34;
	v34 =	vadd.f32 v28, v49;
	[tilespmem:v22+s16+$0x0] =	vst.idx.msk $0xffff, v2  }
0xb2: {  	s30 =	sor.u32 $0x180, s23;
	v35 =	vcvt.s32.f32 v33;
	vm13 =	veq.s32 v33, $0x0;
	vm14 =	veq.s32 v36, $0x0;
	[tilespmem:v30+s16+$0x0] =	vst.idx.msk $0xffff, v39  }
0xb3: {  	v5 =	vcvt.s32.f32 v52;
	v46 =	vor.u32 s30, v47;
	v2 =	vmax.f32 v34, v37;
	[tilespmem:v32+s16+$0x0] =	vst.idx.msk $0xffff, v34  }
0xb4: {  	v3 =	vadd.f32 v3, v48;
	v1 =	vor.u32 s30, v1;
	v58 =	vld [tilespmem:$0x1FF80];
	v2 =	vsel vm13, $0xF149F2CA, v2;
	[tilespmem:v38+s16+$0x0] =	vst.idx.msk $0xffff, v37  }
0xb5: {  	v0 =	vadd.f32 v0, v49;
	v5 =	vmul.f32 v5, v35;
	v53 =	vor.u32 s30, v41;
	[tilespmem:v43+s16+$0x0] =	vst.idx.msk $0xffff, v2;
	v2 =	vld [tilespmem:$0x1FF90]  }
0xb6: {  	s31 =	sor.u32 $0x1C0, s23;
	v51 =	vcvt.s32.f32 v36;
	v54 =	vadd.f32 v27, v50;
	v55 =	vor.u32 s30, v42;
	v62 =	vld [tilespmem:$0x1FFA0]  }
0xb7: {  	v4 =	vmax.f32 v56, v63;
	v56 =	vor.u32 s31, v47;
	v59 =	vadd.f32 v26, v48  }
0xb8: {  	v57 =	vor.u32 s31, v44;
	v4 =	vmax.f32 v4, v31;
	[tilespmem:v46+s16+$0x0] =	vst.idx.msk $0xffff, v3;
	v3 =	vmax.f32 v0, v54  }
0xb9: {  	s22 =	sadd.s32 $0x1, s22;
	v6 =	vcvt.s32.f32 v58;
	[tilespmem:v1+s16+$0x0] =	vst.idx.msk $0xffff, v0;
	v1 =	vsel vm14, $0xF149F2CA, v3;
	v3 =	vor.u32 s31, v45  }
0xba: {  	p0 =	sne.s32 s22, $0x10;
	v60 =	vor.u32 s31, v40;
	v61 =	vadd.f32 v24, v50;
	[tilespmem:v53+s16+$0x0] =	vst.idx.msk $0xffff, v54;
	v2 =	vand.u32 $0x1, v2  }
.Ltmp1:
0xbb: {  	v13 =	vcvt.s32.f32 v62;
	[tilespmem:v55+s16+$0x0] =	vst.idx.msk $0xffff, v1;
	v1 =	vadd.f32 v25, v49;
	v0 =	vcvt.s32.f32 v2;
	(pc) =	sbr.rel @p0 .LBB2_3-.Ltmp1, $4  }
0xbc: {  	v4 =	vmax.f32 v4, v5;
	v63 =	vmul.f32 v6, v51;
	[tilespmem:v56+s16+$0x0] =	vst.idx.msk $0xffff, v59  }
0xbd: {  	vm15 =	veq.s32 v2, $0x0;
	[tilespmem:v57+s16+$0x0] =	vst.idx.msk $0xffff, v1;
	v1 =	vmax.f32 v1, v61;
	v0 =	vmul.f32 v13, v0  }
0xbe: {  	v2 =	vmax.f32 v4, v63;
	[tilespmem:v3+s16+$0x0] =	vst.idx.msk $0xffff, v61;
	v1 =	vsel vm15, $0xF149F2CA, v1  }
0xbf: {  	[tilespmem:v60+s16+$0x0] =	vst.idx.msk $0xffff, v1;
	v0 =	vmax.f32 v2, v0  }
0xc0: {  	s20 =	sshll.u32 s20, $0x5  }
0xc1: {  	s19 =	sadd.s32 $0x1, s19;
	s20 =	sadd.s32 s8, s20  }
0xc2: {  	p0 =	sne.s32 s19, $0x4;
	s20 =	sshrl.u32 s20, $0x3  }
.Ltmp2:
0xc3: {  	s20 =	sadd.s32 s5, s20;
	(pc) =	sbr.rel @p0 .LBB2_2-.Ltmp2, $4  }
0xc4: {  	[hbm4b:s20+s12] =	stream.strided.scatter [tilespmem:s16], [sflag:$0x1], $0x2000, s13, s12, $0x38;
	[tilespmem:$0x1BA80] =	vst v63  }
0xc5: {  	_ =	swait.ge [sflag:s4], $0x2000  }
0xc6: {  	[sflag:s4] =	ssyncset.done $0x0  }
0xc7: {  	[sflag:s4] =	ssyncadd.s32 $0xFFFFE000  }
0xc8: {  	s18 =	sadd.s32 $0x1, s18  }
0xc9: {  	p0 =	sne.s32 s18, s10  }
.Ltmp3:
0xca: {  	[tilespmem:$0x1BA00] =	vst v0;
	(pc) =	sbr.rel @p0 .LBB2_1-.Ltmp3, $4  }
0xcb: {  	[hbm4b:s9+s3] =	stream.linear.scatter [tilespmem:s17], [sflag:$0x1], $0x80, $0x38;
	[tilespmem:$0x1BA80] =	vst v63  }
0xcc: {  	_ =	swait.ge [sflag:s4], $0x80  }
0xcd: {  	[sflag:s4] =	ssyncset.done $0x0  }
0xce: {  	[sflag:s4] =	ssyncadd.s32 $0xFFFFFF80  }
0xcf: {  	_ =	sfence.sel $0x180000  }
0xd0: {  	[bflag:$0x0] =	sbarrier.arrive $0xFFFF  }
0xd1: {  	p0 =	sne.s32 s0, $0x0;
	_ =	strace $0x90000047  }
0xd2: {  	s0 =	sadd.s32 @!p0 $0x100000, s1;
	[bflag:$0x2] =	sbarrier.arrive $0xFFFF  }
0xd3: {  	[sflag:s0] =	ssyncadd.tile.s32 @!p0 $0x1;
	_ =	shalt  }
.Lfunc_end2:
_tile_overlayer_lowered:
.L_overlay_start_2:
0xd4: {  	(tag) =	ssettag $0x2  }
0xd5: {  	s0 =	rddreg [dreg:$0x0];
	s2 =	stileid.u32  }
0xd6: {  	s1 =	rddreg [dreg:$0x1];
	p0 =	sne.s32 s2, $0x0  }
0xd7: {  	s3 =	rddreg [dreg:$0x2];
	[bflag:$0x3] =	sbarrier.arrive $0xFFFF;
	s2 =	simm.s32 @!p0 $0x1C01  }
0xd8: {  	[timem:s3], [sflag:s2] =	dma.local @!p0 [hbm:s0], s1  }
0xd9: {  	s0 =	simm.s32 @!p0 $0x1  }
0xda: {  	_ =	swait.ge @!p0 [sflag:s0], s1  }
0xdb: {  	s1 =	ssub.s32 @!p0 $0x0, s1;
	[sflag:s0] =	ssyncset.done @!p0 $0x0  }
0xdc: {  	[sflag:s0] =	ssyncadd.s32 @!p0 s1  }
0xdd: {  	[bflag:$0x3] =	sbarrier.arrive $0xFFFF  }
0xde: {  	_ =	shalt  }

</sc_bundles>
